<compile_context>
chip_gen: v7x
topology: tpu7x:2x2x1
jax: 0.10.2.dev20260603
libtpu: 0.0.44.dev20260713+nightly
codegen_flags: <defaults>
</compile_context>

<pallas_src>
import functools
import math

import jax
import jax.numpy as jnp
from jax import lax
from jax.experimental import pallas as pl
from jax.experimental.pallas import tpu as pltpu
from jax.experimental.pallas import tpu_sc as plsc

D_MODEL = 64
SCALE = math.sqrt(D_MODEL)

NUM_CORES = 2
NUM_SUBCORES = 16
NUM_WORKERS = NUM_CORES * NUM_SUBCORES
LANES = 16

CHUNK = 128
NBUF = 2


def _emb_body(idx_hbm, tbl_hbm, out_hbm, idxall, pairbuf, obuf, gsem, osem):
    per_w = idxall.shape[0]
    wid = lax.axis_index("s") * NUM_CORES + lax.axis_index("c")
    g0 = wid * per_w
    pltpu.sync_copy(idx_hbm.at[pl.ds(g0, per_w)], idxall)

    iota16 = lax.iota(jnp.int32, 16)

    def gather(j, b):
        return pltpu.make_async_copy(
            tbl_hbm.at[idxall.at[j]],
            pairbuf.at[b, :, pl.ds(0, 2 * D_MODEL)], gsem.at[b])

    def writeback(j, b):
        g = g0 + j
        s = lax.shift_right_logical(g, 7)
        b0 = pl.multiple_of(lax.shift_left(lax.bitwise_and(g, 127), 7), CHUNK)
        return pltpu.make_async_copy(
            obuf.at[b], out_hbm.at[s, :, pl.ds(b0, CHUNK)], osem.at[b])

    def transpose_scale(b):
        def tblock(jb, carry):
            base = jb * LANES
            sl = pl.ds(base, LANES)
            rowv = iota16 + base

            @plsc.parallel_loop(0, D_MODEL, 1, unroll=16)
            def _d(d):
                colv = lax.broadcast(d, (LANES,))
                v = plsc.load_gather(pairbuf.at[b], [rowv, colv])
                obuf[b, d, sl] = v * SCALE

            return carry

        lax.fori_loop(0, CHUNK // LANES, tblock, 0)

    for b in range(NBUF):
        gather(b, b).start()

    n_groups = per_w // NBUF

    def group(it, carry):
        for b in range(NBUF):
            j = it * NBUF + b
            gather(j, b).wait()

            @pl.when(it > 0)
            def _wait_wb():
                writeback(j, b).wait()

            transpose_scale(b)
            writeback(j, b).start()

            @pl.when(j < per_w - NBUF)
            def _refill():
                gather(j + NBUF, b).start()

        return carry

    lax.fori_loop(0, n_groups, group, 0)
    for b in range(NBUF):
        writeback(per_w - NBUF + b, b).wait()


def kernel(x, lut_weight):
    b0, b1 = x.shape
    total = b0 * b1
    n_chunks = total // CHUNK
    per_w = n_chunks // NUM_WORKERS
    idx2d = jnp.transpose(x).reshape(n_chunks, CHUNK).astype(jnp.int32)
    tblp = jnp.pad(lut_weight, ((0, 0), (0, 2 * D_MODEL - lut_weight.shape[1])))

    mesh = plsc.VectorSubcoreMesh(core_axis_name="c", subcore_axis_name="s")
    emb = functools.partial(
        pl.kernel,
        mesh=mesh,
        out_type=jax.ShapeDtypeStruct((b1, D_MODEL, b0), jnp.float32),
        scratch_types=[
            pltpu.VMEM((per_w, CHUNK), jnp.int32),
            pltpu.VMEM((NBUF, CHUNK, 2 * D_MODEL + 1), jnp.float32),
            pltpu.VMEM((NBUF, D_MODEL, CHUNK), jnp.float32),
            pltpu.SemaphoreType.DMA((NBUF,)),
            pltpu.SemaphoreType.DMA((NBUF,)),
        ],
        compiler_params=pltpu.CompilerParams(needs_layout_passes=False),
    )(_emb_body)
    res = emb(idx2d, tblp)
    return jnp.transpose(res, (2, 0, 1))

# --- scband reference (transcript-rebuilt; emitter-appended) ---
"""Pipeline reference for scband-embeddings-54331336294730 (READ-ONLY COPY).

The authoritative reference and input builder live on the scoring server;
editing this copy changes nothing except your own understanding.
"""

import jax, jax.numpy as jnp
import numpy as np
import math

D_MODEL = 64
VOCAB = 1000000

def setup_inputs(seed: int = 0) -> dict:
    key = jax.random.key(seed)
    k1, k2 = jax.random.split(key)
    x = jax.random.randint(k1, (16384, 50), 0, VOCAB, dtype=jnp.int64 if jax.config.jax_enable_x64 else jnp.int32)
    lut_weight = jax.random.normal(k2, (VOCAB, D_MODEL), dtype=jnp.float32)
    return {"x": x, "lut_weight": lut_weight}

def reference(x, lut_weight):
    # Embeddings.forward: self.lut(x) * math.sqrt(self.d_model)
    emb = jnp.take(lut_weight, x, axis=0)
    return emb * math.sqrt(D_MODEL)

if __name__ == "__main__":
    import jax
    _d = setup_inputs()
    print(jax.jit(kernel)(*tuple(_d.values())))

</pallas_src>

<mosaic_0001>
#map = affine_map<(d0, d1) -> (0, 0)>
#map1 = affine_map<(d0, d1) -> (0, 0, 0)>
module attributes {stable_mosaic.version = 14 : i64} {
  func.func @_emb_body(%arg0: i32, %arg1: i32, %arg2: memref<6400x128xi32, #tpu.memory_space<hbm>>, %arg3: memref<1000000x128xf32, #tpu.memory_space<hbm>>, %arg4: memref<50x64x16384xf32, #tpu.memory_space<hbm>>, %arg5: memref<200x128xi32, #tpu.memory_space<vmem>>, %arg6: memref<2x128x129xf32, #tpu.memory_space<vmem>>, %arg7: memref<2x64x128xf32, #tpu.memory_space<vmem>>, %arg8: memref<2x!tpu.dma_semaphore, #tpu.memory_space<semaphore_mem>>, %arg9: memref<2x!tpu.dma_semaphore, #tpu.memory_space<semaphore_mem>>) attributes {dimension_semantics = [#tpu.dimension_semantics<core_parallel>, #tpu.dimension_semantics<subcore_parallel>], iteration_bounds = array<i64: 2, 16>, scalar_prefetch = 0 : i64, scratch_operands = 5 : i64, tpu.core_type = #tpu.core_type<sc_vector_subcore>, window_params = [{transform_indices = #map}, {transform_indices = #map}, {transform_indices = #map1}]} {
    %mul3A = arith.constant 2 : i32
    %mul3A_0 = arith.muli %arg1, %mul3A : i32
    %add3A = arith.addi %mul3A_0, %arg0 : i32
    %mul3A_1 = arith.constant 200 : i32
    %mul3A_2 = arith.muli %add3A, %mul3A_1 : i32
    "tpu.region"() ({
      %run_scoped3A = tpu.sem_alloc : memref<!tpu.dma_semaphore, #tpu.memory_space<semaphore_mem>>
      %dma_start3A_86 = arith.constant 0 : i32
      %dma_start3A_87 = tpu.memref_slice %arg2[%mul3A_2, %dma_start3A_86] : memref<6400x128xi32, #tpu.memory_space<hbm>> -> memref<200x128xi32, #tpu.memory_space<hbm>>
      %dma_start3A_88 = arith.constant 0 : i32
      %dma_start3A_89 = tpu.memref_slice %arg2[%mul3A_2, %dma_start3A_88] : memref<6400x128xi32, #tpu.memory_space<hbm>> -> memref<200x128xi32, #tpu.memory_space<hbm>>
      tpu.enqueue_dma source(%dma_start3A_89 : memref<200x128xi32, #tpu.memory_space<hbm>>) target(%arg5 : memref<200x128xi32, #tpu.memory_space<vmem>>) target_semaphore(%run_scoped3A : memref<!tpu.dma_semaphore, #tpu.memory_space<semaphore_mem>>)
      %dma_wait3A_90 = arith.constant 0 : i32
      %dma_wait3A_91 = tpu.memref_slice %arg2[%mul3A_2, %dma_wait3A_90] : memref<6400x128xi32, #tpu.memory_space<hbm>> -> memref<200x128xi32, #tpu.memory_space<hbm>>
      %dma_wait3A_92 = arith.constant 0 : i32
      %dma_wait3A_93 = tpu.memref_slice %arg2[%mul3A_2, %dma_wait3A_92] : memref<6400x128xi32, #tpu.memory_space<hbm>> -> memref<200x128xi32, #tpu.memory_space<hbm>>
      tpu.wait_dma2 semaphore(%run_scoped3A : memref<!tpu.dma_semaphore, #tpu.memory_space<semaphore_mem>>) src(%dma_wait3A_93 : memref<200x128xi32, #tpu.memory_space<hbm>>) dst(%arg5 : memref<200x128xi32, #tpu.memory_space<vmem>>)
      tpu.yield
    }) : () -> ()
    %iota3A = tpu.iota {dimensions = array<i32: 0>} : vector<16xi32>
    %dma_start3A = arith.constant 0 : i32
    %dma_start3A_3 = arith.constant 0 : i32
    %dma_start3A_4 = arith.constant 0 : i32
    %dma_start3A_5 = arith.constant 0 : i32
    %dma_start3A_6 = arith.constant 0 : i32
    %dma_start3A_7 = tpu.memref_slice %arg6[%dma_start3A_3, %dma_start3A_5, %dma_start3A_6] : memref<2x128x129xf32, #tpu.memory_space<vmem>> -> memref<1x128x128xf32, #tpu.memory_space<vmem>>
    %dma_start3A_8 = tpu.memref_squeeze %dma_start3A_7 : memref<1x128x128xf32, #tpu.memory_space<vmem>> -> memref<128x128xf32, #tpu.memory_space<vmem>>
    %dma_start3A_9 = arith.constant 0 : i32
    %dma_start3A_10 = tpu.memref_slice %arg5[%dma_start3A, %dma_start3A_9] : memref<200x128xi32, #tpu.memory_space<vmem>> -> memref<1x128xi32, #tpu.memory_space<vmem>>
    %dma_start3A_11 = tpu.memref_squeeze %dma_start3A_10 : memref<1x128xi32, #tpu.memory_space<vmem>> -> memref<128xi32, #tpu.memory_space<vmem>>
    %dma_start3A_12 = arith.constant 0 : i32
    %dma_start3A_13 = arith.constant 0 : i32
    %dma_start3A_14 = tpu.memref_slice %arg3[%dma_start3A_12, %dma_start3A_13] : memref<1000000x128xf32, #tpu.memory_space<hbm>> -> memref<1000000x128xf32, #tpu.memory_space<hbm>>
    %dma_start3A_15 = tpu.memref_slice %arg8[%dma_start3A_4] : memref<2x!tpu.dma_semaphore, #tpu.memory_space<semaphore_mem>> -> memref<1x!tpu.dma_semaphore, #tpu.memory_space<semaphore_mem>>
    %dma_start3A_16 = tpu.memref_squeeze %dma_start3A_15 : memref<1x!tpu.dma_semaphore, #tpu.memory_space<semaphore_mem>> -> memref<!tpu.dma_semaphore, #tpu.memory_space<semaphore_mem>>
    tpu.enqueue_indirect_dma source(%dma_start3A_14 : memref<1000000x128xf32, #tpu.memory_space<hbm>>) target(%dma_start3A_8 : memref<128x128xf32, #tpu.memory_space<vmem>>) offsets(%dma_start3A_11 : memref<128xi32, #tpu.memory_space<vmem>>) semaphore(%dma_start3A_16 : memref<!tpu.dma_semaphore, #tpu.memory_space<semaphore_mem>>)
    %dma_start3A_17 = arith.constant 1 : i32
    %dma_start3A_18 = arith.constant 1 : i32
    %dma_start3A_19 = arith.constant 1 : i32
    %dma_start3A_20 = arith.constant 0 : i32
    %dma_start3A_21 = arith.constant 0 : i32
    %dma_start3A_22 = tpu.memref_slice %arg6[%dma_start3A_18, %dma_start3A_20, %dma_start3A_21] : memref<2x128x129xf32, #tpu.memory_space<vmem>> -> memref<1x128x128xf32, #tpu.memory_space<vmem>>
    %dma_start3A_23 = tpu.memref_squeeze %dma_start3A_22 : memref<1x128x128xf32, #tpu.memory_space<vmem>> -> memref<128x128xf32, #tpu.memory_space<vmem>>
    %dma_start3A_24 = arith.constant 0 : i32
    %dma_start3A_25 = tpu.memref_slice %arg5[%dma_start3A_17, %dma_start3A_24] : memref<200x128xi32, #tpu.memory_space<vmem>> -> memref<1x128xi32, #tpu.memory_space<vmem>>
    %dma_start3A_26 = tpu.memref_squeeze %dma_start3A_25 : memref<1x128xi32, #tpu.memory_space<vmem>> -> memref<128xi32, #tpu.memory_space<vmem>>
    %dma_start3A_27 = arith.constant 0 : i32
    %dma_start3A_28 = arith.constant 0 : i32
    %dma_start3A_29 = tpu.memref_slice %arg3[%dma_start3A_27, %dma_start3A_28] : memref<1000000x128xf32, #tpu.memory_space<hbm>> -> memref<1000000x128xf32, #tpu.memory_space<hbm>>
    %dma_start3A_30 = tpu.memref_slice %arg8[%dma_start3A_19] : memref<2x!tpu.dma_semaphore, #tpu.memory_space<semaphore_mem>> -> memref<1x!tpu.dma_semaphore, #tpu.memory_space<semaphore_mem>>
    %dma_start3A_31 = tpu.memref_squeeze %dma_start3A_30 : memref<1x!tpu.dma_semaphore, #tpu.memory_space<semaphore_mem>> -> memref<!tpu.dma_semaphore, #tpu.memory_space<semaphore_mem>>
    tpu.enqueue_indirect_dma source(%dma_start3A_29 : memref<1000000x128xf32, #tpu.memory_space<hbm>>) target(%dma_start3A_23 : memref<128x128xf32, #tpu.memory_space<vmem>>) offsets(%dma_start3A_26 : memref<128xi32, #tpu.memory_space<vmem>>) semaphore(%dma_start3A_31 : memref<!tpu.dma_semaphore, #tpu.memory_space<semaphore_mem>>)
    %scan3A = arith.constant 0 : i32
    %scan3A_32 = arith.constant 0 : i32
    %scan3A_33 = arith.constant 100 : i32
    %scan3A_34 = arith.addi %scan3A_32, %scan3A_33 : i32
    %scan3A_35 = arith.constant 1 : i32
    scf.for %scan3A_86 = %scan3A_32 to %scan3A_34 step %scan3A_35  : i32 {
      %mul3A_87 = arith.constant 2 : i32
      %mul3A_88 = arith.muli %scan3A_86, %mul3A_87 : i32
      %add3A_89 = arith.constant 0 : i32
      %add3A_90 = arith.addi %mul3A_88, %add3A_89 : i32
      %dma_wait3A_91 = arith.constant 0 : i32
      %dma_wait3A_92 = arith.constant 0 : i32
      %dma_wait3A_93 = arith.constant 0 : i32
      %dma_wait3A_94 = arith.constant 0 : i32
      %dma_wait3A_95 = tpu.memref_slice %arg6[%dma_wait3A_91, %dma_wait3A_93, %dma_wait3A_94] : memref<2x128x129xf32, #tpu.memory_space<vmem>> -> memref<1x128x128xf32, #tpu.memory_space<vmem>>
      %dma_wait3A_96 = tpu.memref_squeeze %dma_wait3A_95 : memref<1x128x128xf32, #tpu.memory_space<vmem>> -> memref<128x128xf32, #tpu.memory_space<vmem>>
      %dma_wait3A_97 = arith.constant 0 : i32
      %dma_wait3A_98 = tpu.memref_slice %arg5[%add3A_90, %dma_wait3A_97] : memref<200x128xi32, #tpu.memory_space<vmem>> -> memref<1x128xi32, #tpu.memory_space<vmem>>
      %dma_wait3A_99 = tpu.memref_squeeze %dma_wait3A_98 : memref<1x128xi32, #tpu.memory_space<vmem>> -> memref<128xi32, #tpu.memory_space<vmem>>
      %dma_wait3A_100 = arith.constant 0 : i32
      %dma_wait3A_101 = arith.constant 0 : i32
      %dma_wait3A_102 = tpu.memref_slice %arg3[%dma_wait3A_100, %dma_wait3A_101] : memref<1000000x128xf32, #tpu.memory_space<hbm>> -> memref<1000000x128xf32, #tpu.memory_space<hbm>>
      %dma_wait3A_103 = tpu.memref_slice %arg8[%dma_wait3A_92] : memref<2x!tpu.dma_semaphore, #tpu.memory_space<semaphore_mem>> -> memref<1x!tpu.dma_semaphore, #tpu.memory_space<semaphore_mem>>
      %dma_wait3A_104 = tpu.memref_squeeze %dma_wait3A_103 : memref<1x!tpu.dma_semaphore, #tpu.memory_space<semaphore_mem>> -> memref<!tpu.dma_semaphore, #tpu.memory_space<semaphore_mem>>
      tpu.wait_indirect_dma semaphore(%dma_wait3A_104 : memref<!tpu.dma_semaphore, #tpu.memory_space<semaphore_mem>>) src(%dma_wait3A_102 : memref<1000000x128xf32, #tpu.memory_space<hbm>>) dst(%dma_wait3A_96 : memref<128x128xf32, #tpu.memory_space<vmem>>)
      %gt3A = arith.constant 0 : i32
      %gt3A_105 = arith.cmpi sgt, %scan3A_86, %gt3A : i32
      %convert_element_type3A = arith.extui %gt3A_105 : i1 to i32
      %cond3A = arith.constant 0 : i32
      %cond3A_106 = arith.cmpi ne, %convert_element_type3A, %cond3A : i32
      scf.if %cond3A_106 {
        %add3A_203 = arith.addi %mul3A_2, %add3A_90 : i32
        %shift_right_logical3A_204 = arith.constant 7 : i32
        %shift_right_logical3A_205 = arith.shrui %add3A_203, %shift_right_logical3A_204 : i32
        %and3A_206 = arith.constant 127 : i32
        %and3A_207 = arith.andi %add3A_203, %and3A_206 : i32
        %shift_left3A_208 = arith.constant 7 : i32
        %shift_left3A_209 = arith.shli %and3A_207, %shift_left3A_208 : i32
        %multiple_of3A_210 = tpu.assume_multiple %shift_left3A_209, 128 : i32
        %dma_wait3A_211 = arith.constant 0 : i32
        %dma_wait3A_212 = arith.constant 0 : i32
        %dma_wait3A_213 = arith.constant 0 : i32
        %dma_wait3A_214 = arith.constant 0 : i32
        %dma_wait3A_215 = tpu.memref_slice %arg7[%dma_wait3A_211, %dma_wait3A_213, %dma_wait3A_214] : memref<2x64x128xf32, #tpu.memory_space<vmem>> -> memref<1x64x128xf32, #tpu.memory_space<vmem>>
        %dma_wait3A_216 = tpu.memref_squeeze %dma_wait3A_215 : memref<1x64x128xf32, #tpu.memory_space<vmem>> -> memref<64x128xf32, #tpu.memory_space<vmem>>
        %dma_wait3A_217 = arith.constant 0 : i32
        %dma_wait3A_218 = tpu.memref_slice %arg4[%shift_right_logical3A_205, %dma_wait3A_217, %multiple_of3A_210] : memref<50x64x16384xf32, #tpu.memory_space<hbm>> -> memref<1x64x128xf32, #tpu.memory_space<hbm>>
        %dma_wait3A_219 = tpu.memref_squeeze %dma_wait3A_218 : memref<1x64x128xf32, #tpu.memory_space<hbm>> -> memref<64x128xf32, #tpu.memory_space<hbm>>
        %dma_wait3A_220 = tpu.memref_slice %arg9[%dma_wait3A_212] : memref<2x!tpu.dma_semaphore, #tpu.memory_space<semaphore_mem>> -> memref<1x!tpu.dma_semaphore, #tpu.memory_space<semaphore_mem>>
        %dma_wait3A_221 = tpu.memref_squeeze %dma_wait3A_220 : memref<1x!tpu.dma_semaphore, #tpu.memory_space<semaphore_mem>> -> memref<!tpu.dma_semaphore, #tpu.memory_space<semaphore_mem>>
        %dma_wait3A_222 = arith.constant 0 : i32
        %dma_wait3A_223 = tpu.memref_slice %arg4[%shift_right_logical3A_205, %dma_wait3A_222, %multiple_of3A_210] : memref<50x64x16384xf32, #tpu.memory_space<hbm>> -> memref<1x64x128xf32, #tpu.memory_space<hbm>>
        %dma_wait3A_224 = tpu.memref_squeeze %dma_wait3A_223 : memref<1x64x128xf32, #tpu.memory_space<hbm>> -> memref<64x128xf32, #tpu.memory_space<hbm>>
        %dma_wait3A_225 = arith.constant 0 : i32
        %dma_wait3A_226 = arith.constant 0 : i32
        %dma_wait3A_227 = tpu.memref_slice %arg7[%dma_wait3A_211, %dma_wait3A_225, %dma_wait3A_226] : memref<2x64x128xf32, #tpu.memory_space<vmem>> -> memref<1x64x128xf32, #tpu.memory_space<vmem>>
        %dma_wait3A_228 = tpu.memref_squeeze %dma_wait3A_227 : memref<1x64x128xf32, #tpu.memory_space<vmem>> -> memref<64x128xf32, #tpu.memory_space<vmem>>
        tpu.wait_dma2 semaphore(%dma_wait3A_221 : memref<!tpu.dma_semaphore, #tpu.memory_space<semaphore_mem>>) src(%dma_wait3A_228 : memref<64x128xf32, #tpu.memory_space<vmem>>) dst(%dma_wait3A_224 : memref<64x128xf32, #tpu.memory_space<hbm>>)
      } else {
      }
      %scan3A_107 = arith.constant 0 : i32
      %scan3A_108 = arith.constant 0 : i32
      %scan3A_109 = arith.constant 8 : i32
      %scan3A_110 = arith.addi %scan3A_108, %scan3A_109 : i32
      %scan3A_111 = arith.constant 1 : i32
      scf.for %scan3A_203 = %scan3A_108 to %scan3A_110 step %scan3A_111  : i32 {
        %mul3A_204 = arith.constant 16 : i32
        %mul3A_205 = arith.muli %scan3A_203, %mul3A_204 : i32
        %add3A_206 = vector.broadcast %mul3A_205 : i32 to vector<16xi32>
        %add3A_207 = arith.addi %iota3A, %add3A_206 : vector<16xi32>
        %parallel_loop3A = arith.constant 0 : i32
        %parallel_loop3A_208 = arith.constant 64 : i32
        %parallel_loop3A_209 = arith.constant 1 : i32
        scf.for %parallel_loop3A_210 = %parallel_loop3A to %parallel_loop3A_208 step %parallel_loop3A_209  : i32 {
          %parallel_loop3A_211 = vector.broadcast %parallel_loop3A_210 : i32 to vector<16xi32>
          %parallel_loop3A_212 = arith.constant 0 : i32
          %parallel_loop3A_213 = arith.constant 0 : i32
          %parallel_loop3A_214 = arith.constant 0 : i32
          %parallel_loop3A_215 = tpu.memref_slice %arg6[%parallel_loop3A_212, %parallel_loop3A_213, %parallel_loop3A_214] : memref<2x128x129xf32, #tpu.memory_space<vmem>> -> memref<1x128x129xf32, #tpu.memory_space<vmem>>
          %parallel_loop3A_216 = tpu.memref_squeeze %parallel_loop3A_215 : memref<1x128x129xf32, #tpu.memory_space<vmem>> -> memref<128x129xf32, #tpu.memory_space<vmem>>
          %parallel_loop3A_217 = tpu.vector_load_idx %parallel_loop3A_216[%add3A_207, %parallel_loop3A_211] : memref<128x129xf32, #tpu.memory_space<vmem>>[vector<16xi32>, vector<16xi32>], vector<16xf32>,
          %parallel_loop3A_218 = arith.constant 8.000000e+00 : f32
          %parallel_loop3A_219 = vector.broadcast %parallel_loop3A_218 : f32 to vector<16xf32>
          %parallel_loop3A_220 = arith.mulf %parallel_loop3A_217, %parallel_loop3A_219 : vector<16xf32>
          %parallel_loop3A_221 = arith.constant 0 : i32
          %parallel_loop3A_222 = arith.index_cast %parallel_loop3A_221 : i32 to index
          %parallel_loop3A_223 = arith.index_cast %parallel_loop3A_210 : i32 to index
          %parallel_loop3A_224 = arith.index_cast %mul3A_205 : i32 to index
          %parallel_loop3A_225 = tpu.vector_load %arg7[%parallel_loop3A_222, %parallel_loop3A_223, %parallel_loop3A_224] {strides = array<i32>} : memref<2x64x128xf32, #tpu.memory_space<vmem>>, vector<16xf32>,
          tpu.vector_store %arg7[%parallel_loop3A_222, %parallel_loop3A_223, %parallel_loop3A_224], %parallel_loop3A_220 {strides = array<i32>} : memref<2x64x128xf32, #tpu.memory_space<vmem>>, vector<16xf32>,
        } {sc.loop_unroll_factor = 16 : i64, sc.parallel_access}
      }
      %scan3A_112 = arith.constant 8 : i32
      %add3A_113 = arith.addi %mul3A_2, %add3A_90 : i32
      %shift_right_logical3A_114 = arith.constant 7 : i32
      %shift_right_logical3A_115 = arith.shrui %add3A_113, %shift_right_logical3A_114 : i32
      %and3A_116 = arith.constant 127 : i32
      %and3A_117 = arith.andi %add3A_113, %and3A_116 : i32
      %shift_left3A_118 = arith.constant 7 : i32
      %shift_left3A_119 = arith.shli %and3A_117, %shift_left3A_118 : i32
      %multiple_of3A_120 = tpu.assume_multiple %shift_left3A_119, 128 : i32
      %dma_start3A_121 = arith.constant 0 : i32
      %dma_start3A_122 = arith.constant 0 : i32
      %dma_start3A_123 = arith.constant 0 : i32
      %dma_start3A_124 = arith.constant 0 : i32
      %dma_start3A_125 = tpu.memref_slice %arg7[%dma_start3A_121, %dma_start3A_123, %dma_start3A_124] : memref<2x64x128xf32, #tpu.memory_space<vmem>> -> memref<1x64x128xf32, #tpu.memory_space<vmem>>
      %dma_start3A_126 = tpu.memref_squeeze %dma_start3A_125 : memref<1x64x128xf32, #tpu.memory_space<vmem>> -> memref<64x128xf32, #tpu.memory_space<vmem>>
      %dma_start3A_127 = arith.constant 0 : i32
      %dma_start3A_128 = tpu.memref_slice %arg4[%shift_right_logical3A_115, %dma_start3A_127, %multiple_of3A_120] : memref<50x64x16384xf32, #tpu.memory_space<hbm>> -> memref<1x64x128xf32, #tpu.memory_space<hbm>>
      %dma_start3A_129 = tpu.memref_squeeze %dma_start3A_128 : memref<1x64x128xf32, #tpu.memory_space<hbm>> -> memref<64x128xf32, #tpu.memory_space<hbm>>
      %dma_start3A_130 = tpu.memref_slice %arg9[%dma_start3A_122] : memref<2x!tpu.dma_semaphore, #tpu.memory_space<semaphore_mem>> -> memref<1x!tpu.dma_semaphore, #tpu.memory_space<semaphore_mem>>
      %dma_start3A_131 = tpu.memref_squeeze %dma_start3A_130 : memref<1x!tpu.dma_semaphore, #tpu.memory_space<semaphore_mem>> -> memref<!tpu.dma_semaphore, #tpu.memory_space<semaphore_mem>>
      %dma_start3A_132 = arith.constant 0 : i32
      %dma_start3A_133 = tpu.memref_slice %arg4[%shift_right_logical3A_115, %dma_start3A_132, %multiple_of3A_120] : memref<50x64x16384xf32, #tpu.memory_space<hbm>> -> memref<1x64x128xf32, #tpu.memory_space<hbm>>
      %dma_start3A_134 = tpu.memref_squeeze %dma_start3A_133 : memref<1x64x128xf32, #tpu.memory_space<hbm>> -> memref<64x128xf32, #tpu.memory_space<hbm>>
      %dma_start3A_135 = arith.constant 0 : i32
      %dma_start3A_136 = arith.constant 0 : i32
      %dma_start3A_137 = tpu.memref_slice %arg7[%dma_start3A_121, %dma_start3A_135, %dma_start3A_136] : memref<2x64x128xf32, #tpu.memory_space<vmem>> -> memref<1x64x128xf32, #tpu.memory_space<vmem>>
      %dma_start3A_138 = tpu.memref_squeeze %dma_start3A_137 : memref<1x64x128xf32, #tpu.memory_space<vmem>> -> memref<64x128xf32, #tpu.memory_space<vmem>>
      tpu.enqueue_dma source(%dma_start3A_138 : memref<64x128xf32, #tpu.memory_space<vmem>>) target(%dma_start3A_134 : memref<64x128xf32, #tpu.memory_space<hbm>>) target_semaphore(%dma_start3A_131 : memref<!tpu.dma_semaphore, #tpu.memory_space<semaphore_mem>>)
      %lt3A = arith.constant 198 : i32
      %lt3A_139 = arith.cmpi slt, %add3A_90, %lt3A : i32
      %convert_element_type3A_140 = arith.extui %lt3A_139 : i1 to i32
      %cond3A_141 = arith.constant 0 : i32
      %cond3A_142 = arith.cmpi ne, %convert_element_type3A_140, %cond3A_141 : i32
      scf.if %cond3A_142 {
        %add3A_203 = arith.constant 2 : i32
        %add3A_204 = arith.addi %add3A_90, %add3A_203 : i32
        %dma_start3A_205 = arith.constant 0 : i32
        %dma_start3A_206 = arith.constant 0 : i32
        %dma_start3A_207 = arith.constant 0 : i32
        %dma_start3A_208 = arith.constant 0 : i32
        %dma_start3A_209 = tpu.memref_slice %arg6[%dma_start3A_205, %dma_start3A_207, %dma_start3A_208] : memref<2x128x129xf32, #tpu.memory_space<vmem>> -> memref<1x128x128xf32, #tpu.memory_space<vmem>>
        %dma_start3A_210 = tpu.memref_squeeze %dma_start3A_209 : memref<1x128x128xf32, #tpu.memory_space<vmem>> -> memref<128x128xf32, #tpu.memory_space<vmem>>
        %dma_start3A_211 = arith.constant 0 : i32
        %dma_start3A_212 = tpu.memref_slice %arg5[%add3A_204, %dma_start3A_211] : memref<200x128xi32, #tpu.memory_space<vmem>> -> memref<1x128xi32, #tpu.memory_space<vmem>>
        %dma_start3A_213 = tpu.memref_squeeze %dma_start3A_212 : memref<1x128xi32, #tpu.memory_space<vmem>> -> memref<128xi32, #tpu.memory_space<vmem>>
        %dma_start3A_214 = arith.constant 0 : i32
        %dma_start3A_215 = arith.constant 0 : i32
        %dma_start3A_216 = tpu.memref_slice %arg3[%dma_start3A_214, %dma_start3A_215] : memref<1000000x128xf32, #tpu.memory_space<hbm>> -> memref<1000000x128xf32, #tpu.memory_space<hbm>>
        %dma_start3A_217 = tpu.memref_slice %arg8[%dma_start3A_206] : memref<2x!tpu.dma_semaphore, #tpu.memory_space<semaphore_mem>> -> memref<1x!tpu.dma_semaphore, #tpu.memory_space<semaphore_mem>>
        %dma_start3A_218 = tpu.memref_squeeze %dma_start3A_217 : memref<1x!tpu.dma_semaphore, #tpu.memory_space<semaphore_mem>> -> memref<!tpu.dma_semaphore, #tpu.memory_space<semaphore_mem>>
        tpu.enqueue_indirect_dma source(%dma_start3A_216 : memref<1000000x128xf32, #tpu.memory_space<hbm>>) target(%dma_start3A_210 : memref<128x128xf32, #tpu.memory_space<vmem>>) offsets(%dma_start3A_213 : memref<128xi32, #tpu.memory_space<vmem>>) semaphore(%dma_start3A_218 : memref<!tpu.dma_semaphore, #tpu.memory_space<semaphore_mem>>)
      } else {
      }
      %mul3A_143 = arith.constant 2 : i32
      %mul3A_144 = arith.muli %scan3A_86, %mul3A_143 : i32
      %add3A_145 = arith.constant 1 : i32
      %add3A_146 = arith.addi %mul3A_144, %add3A_145 : i32
      %dma_wait3A_147 = arith.constant 1 : i32
      %dma_wait3A_148 = arith.constant 1 : i32
      %dma_wait3A_149 = arith.constant 0 : i32
      %dma_wait3A_150 = arith.constant 0 : i32
      %dma_wait3A_151 = tpu.memref_slice %arg6[%dma_wait3A_147, %dma_wait3A_149, %dma_wait3A_150] : memref<2x128x129xf32, #tpu.memory_space<vmem>> -> memref<1x128x128xf32, #tpu.memory_space<vmem>>
      %dma_wait3A_152 = tpu.memref_squeeze %dma_wait3A_151 : memref<1x128x128xf32, #tpu.memory_space<vmem>> -> memref<128x128xf32, #tpu.memory_space<vmem>>
      %dma_wait3A_153 = arith.constant 0 : i32
      %dma_wait3A_154 = tpu.memref_slice %arg5[%add3A_146, %dma_wait3A_153] : memref<200x128xi32, #tpu.memory_space<vmem>> -> memref<1x128xi32, #tpu.memory_space<vmem>>
      %dma_wait3A_155 = tpu.memref_squeeze %dma_wait3A_154 : memref<1x128xi32, #tpu.memory_space<vmem>> -> memref<128xi32, #tpu.memory_space<vmem>>
      %dma_wait3A_156 = arith.constant 0 : i32
      %dma_wait3A_157 = arith.constant 0 : i32
      %dma_wait3A_158 = tpu.memref_slice %arg3[%dma_wait3A_156, %dma_wait3A_157] : memref<1000000x128xf32, #tpu.memory_space<hbm>> -> memref<1000000x128xf32, #tpu.memory_space<hbm>>
      %dma_wait3A_159 = tpu.memref_slice %arg8[%dma_wait3A_148] : memref<2x!tpu.dma_semaphore, #tpu.memory_space<semaphore_mem>> -> memref<1x!tpu.dma_semaphore, #tpu.memory_space<semaphore_mem>>
      %dma_wait3A_160 = tpu.memref_squeeze %dma_wait3A_159 : memref<1x!tpu.dma_semaphore, #tpu.memory_space<semaphore_mem>> -> memref<!tpu.dma_semaphore, #tpu.memory_space<semaphore_mem>>
      tpu.wait_indirect_dma semaphore(%dma_wait3A_160 : memref<!tpu.dma_semaphore, #tpu.memory_space<semaphore_mem>>) src(%dma_wait3A_158 : memref<1000000x128xf32, #tpu.memory_space<hbm>>) dst(%dma_wait3A_152 : memref<128x128xf32, #tpu.memory_space<vmem>>)
      %gt3A_161 = arith.constant 0 : i32
      %gt3A_162 = arith.cmpi sgt, %scan3A_86, %gt3A_161 : i32
      %convert_element_type3A_163 = arith.extui %gt3A_162 : i1 to i32
      %cond3A_164 = arith.constant 0 : i32
      %cond3A_165 = arith.cmpi ne, %convert_element_type3A_163, %cond3A_164 : i32
      scf.if %cond3A_165 {
        %add3A_203 = arith.addi %mul3A_2, %add3A_146 : i32
        %shift_right_logical3A_204 = arith.constant 7 : i32
        %shift_right_logical3A_205 = arith.shrui %add3A_203, %shift_right_logical3A_204 : i32
        %and3A_206 = arith.constant 127 : i32
        %and3A_207 = arith.andi %add3A_203, %and3A_206 : i32
        %shift_left3A_208 = arith.constant 7 : i32
        %shift_left3A_209 = arith.shli %and3A_207, %shift_left3A_208 : i32
        %multiple_of3A_210 = tpu.assume_multiple %shift_left3A_209, 128 : i32
        %dma_wait3A_211 = arith.constant 1 : i32
        %dma_wait3A_212 = arith.constant 1 : i32
        %dma_wait3A_213 = arith.constant 0 : i32
        %dma_wait3A_214 = arith.constant 0 : i32
        %dma_wait3A_215 = tpu.memref_slice %arg7[%dma_wait3A_211, %dma_wait3A_213, %dma_wait3A_214] : memref<2x64x128xf32, #tpu.memory_space<vmem>> -> memref<1x64x128xf32, #tpu.memory_space<vmem>>
        %dma_wait3A_216 = tpu.memref_squeeze %dma_wait3A_215 : memref<1x64x128xf32, #tpu.memory_space<vmem>> -> memref<64x128xf32, #tpu.memory_space<vmem>>
        %dma_wait3A_217 = arith.constant 0 : i32
        %dma_wait3A_218 = tpu.memref_slice %arg4[%shift_right_logical3A_205, %dma_wait3A_217, %multiple_of3A_210] : memref<50x64x16384xf32, #tpu.memory_space<hbm>> -> memref<1x64x128xf32, #tpu.memory_space<hbm>>
        %dma_wait3A_219 = tpu.memref_squeeze %dma_wait3A_218 : memref<1x64x128xf32, #tpu.memory_space<hbm>> -> memref<64x128xf32, #tpu.memory_space<hbm>>
        %dma_wait3A_220 = tpu.memref_slice %arg9[%dma_wait3A_212] : memref<2x!tpu.dma_semaphore, #tpu.memory_space<semaphore_mem>> -> memref<1x!tpu.dma_semaphore, #tpu.memory_space<semaphore_mem>>
        %dma_wait3A_221 = tpu.memref_squeeze %dma_wait3A_220 : memref<1x!tpu.dma_semaphore, #tpu.memory_space<semaphore_mem>> -> memref<!tpu.dma_semaphore, #tpu.memory_space<semaphore_mem>>
        %dma_wait3A_222 = arith.constant 0 : i32
        %dma_wait3A_223 = tpu.memref_slice %arg4[%shift_right_logical3A_205, %dma_wait3A_222, %multiple_of3A_210] : memref<50x64x16384xf32, #tpu.memory_space<hbm>> -> memref<1x64x128xf32, #tpu.memory_space<hbm>>
        %dma_wait3A_224 = tpu.memref_squeeze %dma_wait3A_223 : memref<1x64x128xf32, #tpu.memory_space<hbm>> -> memref<64x128xf32, #tpu.memory_space<hbm>>
        %dma_wait3A_225 = arith.constant 0 : i32
        %dma_wait3A_226 = arith.constant 0 : i32
        %dma_wait3A_227 = tpu.memref_slice %arg7[%dma_wait3A_211, %dma_wait3A_225, %dma_wait3A_226] : memref<2x64x128xf32, #tpu.memory_space<vmem>> -> memref<1x64x128xf32, #tpu.memory_space<vmem>>
        %dma_wait3A_228 = tpu.memref_squeeze %dma_wait3A_227 : memref<1x64x128xf32, #tpu.memory_space<vmem>> -> memref<64x128xf32, #tpu.memory_space<vmem>>
        tpu.wait_dma2 semaphore(%dma_wait3A_221 : memref<!tpu.dma_semaphore, #tpu.memory_space<semaphore_mem>>) src(%dma_wait3A_228 : memref<64x128xf32, #tpu.memory_space<vmem>>) dst(%dma_wait3A_224 : memref<64x128xf32, #tpu.memory_space<hbm>>)
      } else {
      }
      %scan3A_166 = arith.constant 0 : i32
      %scan3A_167 = arith.constant 0 : i32
      %scan3A_168 = arith.constant 8 : i32
      %scan3A_169 = arith.addi %scan3A_167, %scan3A_168 : i32
      %scan3A_170 = arith.constant 1 : i32
      scf.for %scan3A_203 = %scan3A_167 to %scan3A_169 step %scan3A_170  : i32 {
        %mul3A_204 = arith.constant 16 : i32
        %mul3A_205 = arith.muli %scan3A_203, %mul3A_204 : i32
        %add3A_206 = vector.broadcast %mul3A_205 : i32 to vector<16xi32>
        %add3A_207 = arith.addi %iota3A, %add3A_206 : vector<16xi32>
        %parallel_loop3A = arith.constant 0 : i32
        %parallel_loop3A_208 = arith.constant 64 : i32
        %parallel_loop3A_209 = arith.constant 1 : i32
        scf.for %parallel_loop3A_210 = %parallel_loop3A to %parallel_loop3A_208 step %parallel_loop3A_209  : i32 {
          %parallel_loop3A_211 = vector.broadcast %parallel_loop3A_210 : i32 to vector<16xi32>
          %parallel_loop3A_212 = arith.constant 1 : i32
          %parallel_loop3A_213 = arith.constant 0 : i32
          %parallel_loop3A_214 = arith.constant 0 : i32
          %parallel_loop3A_215 = tpu.memref_slice %arg6[%parallel_loop3A_212, %parallel_loop3A_213, %parallel_loop3A_214] : memref<2x128x129xf32, #tpu.memory_space<vmem>> -> memref<1x128x129xf32, #tpu.memory_space<vmem>>
          %parallel_loop3A_216 = tpu.memref_squeeze %parallel_loop3A_215 : memref<1x128x129xf32, #tpu.memory_space<vmem>> -> memref<128x129xf32, #tpu.memory_space<vmem>>
          %parallel_loop3A_217 = tpu.vector_load_idx %parallel_loop3A_216[%add3A_207, %parallel_loop3A_211] : memref<128x129xf32, #tpu.memory_space<vmem>>[vector<16xi32>, vector<16xi32>], vector<16xf32>,
          %parallel_loop3A_218 = arith.constant 8.000000e+00 : f32
          %parallel_loop3A_219 = vector.broadcast %parallel_loop3A_218 : f32 to vector<16xf32>
          %parallel_loop3A_220 = arith.mulf %parallel_loop3A_217, %parallel_loop3A_219 : vector<16xf32>
          %parallel_loop3A_221 = arith.constant 1 : i32
          %parallel_loop3A_222 = arith.index_cast %parallel_loop3A_221 : i32 to index
          %parallel_loop3A_223 = arith.index_cast %parallel_loop3A_210 : i32 to index
          %parallel_loop3A_224 = arith.index_cast %mul3A_205 : i32 to index
          %parallel_loop3A_225 = tpu.vector_load %arg7[%parallel_loop3A_222, %parallel_loop3A_223, %parallel_loop3A_224] {strides = array<i32>} : memref<2x64x128xf32, #tpu.memory_space<vmem>>, vector<16xf32>,
          tpu.vector_store %arg7[%parallel_loop3A_222, %parallel_loop3A_223, %parallel_loop3A_224], %parallel_loop3A_220 {strides = array<i32>} : memref<2x64x128xf32, #tpu.memory_space<vmem>>, vector<16xf32>,
        } {sc.loop_unroll_factor = 16 : i64, sc.parallel_access}
      }
      %scan3A_171 = arith.constant 8 : i32
      %add3A_172 = arith.addi %mul3A_2, %add3A_146 : i32
      %shift_right_logical3A_173 = arith.constant 7 : i32
      %shift_right_logical3A_174 = arith.shrui %add3A_172, %shift_right_logical3A_173 : i32
      %and3A_175 = arith.constant 127 : i32
      %and3A_176 = arith.andi %add3A_172, %and3A_175 : i32
      %shift_left3A_177 = arith.constant 7 : i32
      %shift_left3A_178 = arith.shli %and3A_176, %shift_left3A_177 : i32
      %multiple_of3A_179 = tpu.assume_multiple %shift_left3A_178, 128 : i32
      %dma_start3A_180 = arith.constant 1 : i32
      %dma_start3A_181 = arith.constant 1 : i32
      %dma_start3A_182 = arith.constant 0 : i32
      %dma_start3A_183 = arith.constant 0 : i32
      %dma_start3A_184 = tpu.memref_slice %arg7[%dma_start3A_180, %dma_start3A_182, %dma_start3A_183] : memref<2x64x128xf32, #tpu.memory_space<vmem>> -> memref<1x64x128xf32, #tpu.memory_space<vmem>>
      %dma_start3A_185 = tpu.memref_squeeze %dma_start3A_184 : memref<1x64x128xf32, #tpu.memory_space<vmem>> -> memref<64x128xf32, #tpu.memory_space<vmem>>
      %dma_start3A_186 = arith.constant 0 : i32
      %dma_start3A_187 = tpu.memref_slice %arg4[%shift_right_logical3A_174, %dma_start3A_186, %multiple_of3A_179] : memref<50x64x16384xf32, #tpu.memory_space<hbm>> -> memref<1x64x128xf32, #tpu.memory_space<hbm>>
      %dma_start3A_188 = tpu.memref_squeeze %dma_start3A_187 : memref<1x64x128xf32, #tpu.memory_space<hbm>> -> memref<64x128xf32, #tpu.memory_space<hbm>>
      %dma_start3A_189 = tpu.memref_slice %arg9[%dma_start3A_181] : memref<2x!tpu.dma_semaphore, #tpu.memory_space<semaphore_mem>> -> memref<1x!tpu.dma_semaphore, #tpu.memory_space<semaphore_mem>>
      %dma_start3A_190 = tpu.memref_squeeze %dma_start3A_189 : memref<1x!tpu.dma_semaphore, #tpu.memory_space<semaphore_mem>> -> memref<!tpu.dma_semaphore, #tpu.memory_space<semaphore_mem>>
      %dma_start3A_191 = arith.constant 0 : i32
      %dma_start3A_192 = tpu.memref_slice %arg4[%shift_right_logical3A_174, %dma_start3A_191, %multiple_of3A_179] : memref<50x64x16384xf32, #tpu.memory_space<hbm>> -> memref<1x64x128xf32, #tpu.memory_space<hbm>>
      %dma_start3A_193 = tpu.memref_squeeze %dma_start3A_192 : memref<1x64x128xf32, #tpu.memory_space<hbm>> -> memref<64x128xf32, #tpu.memory_space<hbm>>
      %dma_start3A_194 = arith.constant 0 : i32
      %dma_start3A_195 = arith.constant 0 : i32
      %dma_start3A_196 = tpu.memref_slice %arg7[%dma_start3A_180, %dma_start3A_194, %dma_start3A_195] : memref<2x64x128xf32, #tpu.memory_space<vmem>> -> memref<1x64x128xf32, #tpu.memory_space<vmem>>
      %dma_start3A_197 = tpu.memref_squeeze %dma_start3A_196 : memref<1x64x128xf32, #tpu.memory_space<vmem>> -> memref<64x128xf32, #tpu.memory_space<vmem>>
      tpu.enqueue_dma source(%dma_start3A_197 : memref<64x128xf32, #tpu.memory_space<vmem>>) target(%dma_start3A_193 : memref<64x128xf32, #tpu.memory_space<hbm>>) target_semaphore(%dma_start3A_190 : memref<!tpu.dma_semaphore, #tpu.memory_space<semaphore_mem>>)
      %lt3A_198 = arith.constant 198 : i32
      %lt3A_199 = arith.cmpi slt, %add3A_146, %lt3A_198 : i32
      %convert_element_type3A_200 = arith.extui %lt3A_199 : i1 to i32
      %cond3A_201 = arith.constant 0 : i32
      %cond3A_202 = arith.cmpi ne, %convert_element_type3A_200, %cond3A_201 : i32
      scf.if %cond3A_202 {
        %add3A_203 = arith.constant 2 : i32
        %add3A_204 = arith.addi %add3A_146, %add3A_203 : i32
        %dma_start3A_205 = arith.constant 1 : i32
        %dma_start3A_206 = arith.constant 1 : i32
        %dma_start3A_207 = arith.constant 0 : i32
        %dma_start3A_208 = arith.constant 0 : i32
        %dma_start3A_209 = tpu.memref_slice %arg6[%dma_start3A_205, %dma_start3A_207, %dma_start3A_208] : memref<2x128x129xf32, #tpu.memory_space<vmem>> -> memref<1x128x128xf32, #tpu.memory_space<vmem>>
        %dma_start3A_210 = tpu.memref_squeeze %dma_start3A_209 : memref<1x128x128xf32, #tpu.memory_space<vmem>> -> memref<128x128xf32, #tpu.memory_space<vmem>>
        %dma_start3A_211 = arith.constant 0 : i32
        %dma_start3A_212 = tpu.memref_slice %arg5[%add3A_204, %dma_start3A_211] : memref<200x128xi32, #tpu.memory_space<vmem>> -> memref<1x128xi32, #tpu.memory_space<vmem>>
        %dma_start3A_213 = tpu.memref_squeeze %dma_start3A_212 : memref<1x128xi32, #tpu.memory_space<vmem>> -> memref<128xi32, #tpu.memory_space<vmem>>
        %dma_start3A_214 = arith.constant 0 : i32
        %dma_start3A_215 = arith.constant 0 : i32
        %dma_start3A_216 = tpu.memref_slice %arg3[%dma_start3A_214, %dma_start3A_215] : memref<1000000x128xf32, #tpu.memory_space<hbm>> -> memref<1000000x128xf32, #tpu.memory_space<hbm>>
        %dma_start3A_217 = tpu.memref_slice %arg8[%dma_start3A_206] : memref<2x!tpu.dma_semaphore, #tpu.memory_space<semaphore_mem>> -> memref<1x!tpu.dma_semaphore, #tpu.memory_space<semaphore_mem>>
        %dma_start3A_218 = tpu.memref_squeeze %dma_start3A_217 : memref<1x!tpu.dma_semaphore, #tpu.memory_space<semaphore_mem>> -> memref<!tpu.dma_semaphore, #tpu.memory_space<semaphore_mem>>
        tpu.enqueue_indirect_dma source(%dma_start3A_216 : memref<1000000x128xf32, #tpu.memory_space<hbm>>) target(%dma_start3A_210 : memref<128x128xf32, #tpu.memory_space<vmem>>) offsets(%dma_start3A_213 : memref<128xi32, #tpu.memory_space<vmem>>) semaphore(%dma_start3A_218 : memref<!tpu.dma_semaphore, #tpu.memory_space<semaphore_mem>>)
      } else {
      }
    }
    %scan3A_36 = arith.constant 100 : i32
    %add3A_37 = arith.constant 198 : i32
    %add3A_38 = arith.addi %mul3A_2, %add3A_37 : i32
    %shift_right_logical3A = arith.constant 7 : i32
    %shift_right_logical3A_39 = arith.shrui %add3A_38, %shift_right_logical3A : i32
    %and3A = arith.constant 127 : i32
    %and3A_40 = arith.andi %add3A_38, %and3A : i32
    %shift_left3A = arith.constant 7 : i32
    %shift_left3A_41 = arith.shli %and3A_40, %shift_left3A : i32
    %multiple_of3A = tpu.assume_multiple %shift_left3A_41, 128 : i32
    %dma_wait3A = arith.constant 0 : i32
    %dma_wait3A_42 = arith.constant 0 : i32
    %dma_wait3A_43 = arith.constant 0 : i32
    %dma_wait3A_44 = arith.constant 0 : i32
    %dma_wait3A_45 = tpu.memref_slice %arg7[%dma_wait3A, %dma_wait3A_43, %dma_wait3A_44] : memref<2x64x128xf32, #tpu.memory_space<vmem>> -> memref<1x64x128xf32, #tpu.memory_space<vmem>>
    %dma_wait3A_46 = tpu.memref_squeeze %dma_wait3A_45 : memref<1x64x128xf32, #tpu.memory_space<vmem>> -> memref<64x128xf32, #tpu.memory_space<vmem>>
    %dma_wait3A_47 = arith.constant 0 : i32
    %dma_wait3A_48 = tpu.memref_slice %arg4[%shift_right_logical3A_39, %dma_wait3A_47, %multiple_of3A] : memref<50x64x16384xf32, #tpu.memory_space<hbm>> -> memref<1x64x128xf32, #tpu.memory_space<hbm>>
    %dma_wait3A_49 = tpu.memref_squeeze %dma_wait3A_48 : memref<1x64x128xf32, #tpu.memory_space<hbm>> -> memref<64x128xf32, #tpu.memory_space<hbm>>
    %dma_wait3A_50 = tpu.memref_slice %arg9[%dma_wait3A_42] : memref<2x!tpu.dma_semaphore, #tpu.memory_space<semaphore_mem>> -> memref<1x!tpu.dma_semaphore, #tpu.memory_space<semaphore_mem>>
    %dma_wait3A_51 = tpu.memref_squeeze %dma_wait3A_50 : memref<1x!tpu.dma_semaphore, #tpu.memory_space<semaphore_mem>> -> memref<!tpu.dma_semaphore, #tpu.memory_space<semaphore_mem>>
    %dma_wait3A_52 = arith.constant 0 : i32
    %dma_wait3A_53 = tpu.memref_slice %arg4[%shift_right_logical3A_39, %dma_wait3A_52, %multiple_of3A] : memref<50x64x16384xf32, #tpu.memory_space<hbm>> -> memref<1x64x128xf32, #tpu.memory_space<hbm>>
    %dma_wait3A_54 = tpu.memref_squeeze %dma_wait3A_53 : memref<1x64x128xf32, #tpu.memory_space<hbm>> -> memref<64x128xf32, #tpu.memory_space<hbm>>
    %dma_wait3A_55 = arith.constant 0 : i32
    %dma_wait3A_56 = arith.constant 0 : i32
    %dma_wait3A_57 = tpu.memref_slice %arg7[%dma_wait3A, %dma_wait3A_55, %dma_wait3A_56] : memref<2x64x128xf32, #tpu.memory_space<vmem>> -> memref<1x64x128xf32, #tpu.memory_space<vmem>>
    %dma_wait3A_58 = tpu.memref_squeeze %dma_wait3A_57 : memref<1x64x128xf32, #tpu.memory_space<vmem>> -> memref<64x128xf32, #tpu.memory_space<vmem>>
    tpu.wait_dma2 semaphore(%dma_wait3A_51 : memref<!tpu.dma_semaphore, #tpu.memory_space<semaphore_mem>>) src(%dma_wait3A_58 : memref<64x128xf32, #tpu.memory_space<vmem>>) dst(%dma_wait3A_54 : memref<64x128xf32, #tpu.memory_space<hbm>>)
    %add3A_59 = arith.constant 199 : i32
    %add3A_60 = arith.addi %mul3A_2, %add3A_59 : i32
    %shift_right_logical3A_61 = arith.constant 7 : i32
    %shift_right_logical3A_62 = arith.shrui %add3A_60, %shift_right_logical3A_61 : i32
    %and3A_63 = arith.constant 127 : i32
    %and3A_64 = arith.andi %add3A_60, %and3A_63 : i32
    %shift_left3A_65 = arith.constant 7 : i32
    %shift_left3A_66 = arith.shli %and3A_64, %shift_left3A_65 : i32
    %multiple_of3A_67 = tpu.assume_multiple %shift_left3A_66, 128 : i32
    %dma_wait3A_68 = arith.constant 1 : i32
    %dma_wait3A_69 = arith.constant 1 : i32
    %dma_wait3A_70 = arith.constant 0 : i32
    %dma_wait3A_71 = arith.constant 0 : i32
    %dma_wait3A_72 = tpu.memref_slice %arg7[%dma_wait3A_68, %dma_wait3A_70, %dma_wait3A_71] : memref<2x64x128xf32, #tpu.memory_space<vmem>> -> memref<1x64x128xf32, #tpu.memory_space<vmem>>
    %dma_wait3A_73 = tpu.memref_squeeze %dma_wait3A_72 : memref<1x64x128xf32, #tpu.memory_space<vmem>> -> memref<64x128xf32, #tpu.memory_space<vmem>>
    %dma_wait3A_74 = arith.constant 0 : i32
    %dma_wait3A_75 = tpu.memref_slice %arg4[%shift_right_logical3A_62, %dma_wait3A_74, %multiple_of3A_67] : memref<50x64x16384xf32, #tpu.memory_space<hbm>> -> memref<1x64x128xf32, #tpu.memory_space<hbm>>
    %dma_wait3A_76 = tpu.memref_squeeze %dma_wait3A_75 : memref<1x64x128xf32, #tpu.memory_space<hbm>> -> memref<64x128xf32, #tpu.memory_space<hbm>>
    %dma_wait3A_77 = tpu.memref_slice %arg9[%dma_wait3A_69] : memref<2x!tpu.dma_semaphore, #tpu.memory_space<semaphore_mem>> -> memref<1x!tpu.dma_semaphore, #tpu.memory_space<semaphore_mem>>
    %dma_wait3A_78 = tpu.memref_squeeze %dma_wait3A_77 : memref<1x!tpu.dma_semaphore, #tpu.memory_space<semaphore_mem>> -> memref<!tpu.dma_semaphore, #tpu.memory_space<semaphore_mem>>
    %dma_wait3A_79 = arith.constant 0 : i32
    %dma_wait3A_80 = tpu.memref_slice %arg4[%shift_right_logical3A_62, %dma_wait3A_79, %multiple_of3A_67] : memref<50x64x16384xf32, #tpu.memory_space<hbm>> -> memref<1x64x128xf32, #tpu.memory_space<hbm>>
    %dma_wait3A_81 = tpu.memref_squeeze %dma_wait3A_80 : memref<1x64x128xf32, #tpu.memory_space<hbm>> -> memref<64x128xf32, #tpu.memory_space<hbm>>
    %dma_wait3A_82 = arith.constant 0 : i32
    %dma_wait3A_83 = arith.constant 0 : i32
    %dma_wait3A_84 = tpu.memref_slice %arg7[%dma_wait3A_68, %dma_wait3A_82, %dma_wait3A_83] : memref<2x64x128xf32, #tpu.memory_space<vmem>> -> memref<1x64x128xf32, #tpu.memory_space<vmem>>
    %dma_wait3A_85 = tpu.memref_squeeze %dma_wait3A_84 : memref<1x64x128xf32, #tpu.memory_space<vmem>> -> memref<64x128xf32, #tpu.memory_space<vmem>>
    tpu.wait_dma2 semaphore(%dma_wait3A_78 : memref<!tpu.dma_semaphore, #tpu.memory_space<semaphore_mem>>) src(%dma_wait3A_85 : memref<64x128xf32, #tpu.memory_space<vmem>>) dst(%dma_wait3A_81 : memref<64x128xf32, #tpu.memory_space<hbm>>)
    return
  }
}

</mosaic_0001>

<sc_bundles>
// kernel: kernel.3.cloned.1.call-start
scs
__scs_entry_jumppad:
0x0: {  	(pc) =	sbr.rel $0x88, $3  }
0x1: {  	(tag) =	ssettag $0x0;
	lr =	simm.s32 $0x1  }
0x2: {  	[smem:$0x3F9F] =	sst lr;
	_ =	strace $0xD0000000  }
0x3: {  	_ = 	snop  }
0x4: {  	_ = 	snop  }
0x5: {  	_ = 	snop  }
0x6: {  	_ = 	snop  }
0x7: {  	_ = 	snop  }
__scs_overlays_trampoline_lowered:
0x8: {  	[smem:$0x3FAE] =	sst s0  }
0x9: {  	[smem:$0x3FAF] =	sst s1  }
0xa: {  	[smem:$0x3FB0] =	sst s2  }
0xb: {  	[smem:$0x3FB1] =	sst s3  }
0xc: {  	[smem:$0x3FB2] =	sst s4  }
0xd: {  	[smem:$0x3FB3] =	sst s5  }
0xe: {  	[smem:$0x3FB4] =	sst s6  }
0xf: {  	[smem:$0x3FB5] =	sst s7  }
0x10: {  	[smem:$0x3FB6] =	sst s8  }
0x11: {  	[smem:$0x3FB7] =	sst s9;
	s0 =	simm.s32 @!p0 $0x0  }
0x12: {  	s1 =	sld [smem:$0x3F9D];
	s0 =	simm.s32 @p0 $0x1  }
0x13: {  	[smem:$0x3FB8] =	sst s0;
	s0 =	simm.s32 @!p1 $0x0  }
0x14: {  	s2 =	sld [smem:$0x3F9C];
	s0 =	simm.s32 @p1 $0x1  }
0x15: {  	[smem:$0x3FB9] =	sst s0;
	s0 =	simm.s32 @!p2 $0x0  }
0x16: {  	s3 =	sld [smem:$0x3FDB];
	s0 =	simm.s32 @p2 $0x1  }
0x17: {  	s4 =	simm.s32 $0x1BF5;
	[smem:$0x3FBB] =	sst s0  }
0x18: {  	s0 =	sld [smem:$0x3F9E];
	_ =	swait.ge [sflag:s4], $0x0  }
0x19: {  	s7 =	sld [smem:$0x3F9F]  }
0x1a: {  	s8 =	sadd.s32 $0xFFFFE003, lr  }
0x1b: {  	s9 =	sadd.s32 $0xFFFFFEF7, lr;
	s5 =	simm.s32 $0xFFFFFFFF;
	p2 =	slt.u32 s8, $0xFFFFF086  }
0x1c: {  	p1 =	slt.u32 s9, $0xF7A;
	s5 =	simm.s32 @!p2 $0x0  }
0x1d: {  	s5 =	simm.s32 @p1 $0x1;
	p0 =	seq.s32 s7, s2  }
0x1e: {  	s7 =	smul.u32 @!p0 $0xF7A, s2;
	p2 =	seq.s32 @!p0 s5, $0x0  }
0x1f: {  	s9 =	smul.u32 $0xF7A, s1;
	s8 =	simm.s32 @!p0 $0x1BF5;
	p2 =	por !p2, p0  }
0x20: {  	[sflag:s8] =	ssyncset.s32 @!p0 $0xFFFFF086;
	s6 =	sadd.s32 @!p0 s3, s7;
	s7 =	simm.s32 @!p0 $0x108  }
0x21: {  	s3 =	sadd.s32 s3, s9;
	s6 =	sadd.s32 @!p0 $0x88, s6;
	s7 =	simm.s32 @p2 $0x1082  }
0x22: {  	[simem:s7], [sflag:s8] =	dma.local @!p0 [hbm:s6], $0xF7A  }
0x23: {  	s9 =	sor.u32 $0xD0000000, s2;
	s6 =	simm.s32 $0x108;
	_ =	swait.ge @!p0 [sflag:s8], $0x0  }
0x24: {  	s3 =	sadd.s32 $0x88, s3;
	s6 =	simm.s32 @!p1 $0x1082;
	[sflag:s4] =	ssyncset.s32 $0xFFFFF086  }
0x25: {  	[simem:s6], [sflag:s4] =	dma.local [hbm:s3], $0xF7A  }
0x26: {  	[smem:$0x3F9F] =	sst s1;
	(tag) =	ssettag s2;
	_ =	strace s9  }
0x27: {  	s1 =	sld [smem:$0x3FAF]  }
0x28: {  	s2 =	sld [smem:$0x3FB0]  }
0x29: {  	s4 =	sld [smem:$0x3FB2]  }
0x2a: {  	p0 =	seq.s32 s5, $0x0;
	s5 =	sld [smem:$0x3FB3]  }
0x2b: {  	s6 =	sld [smem:$0x3FB4]  }
0x2c: {  	s7 =	sld [smem:$0x3FB5]  }
0x2d: {  	s3 =	simm.s32 $0x108;
	s8 =	sld [smem:$0x3FB6]  }
0x2e: {  	s3 =	simm.s32 @!p0 $0x1082;
	s9 =	sld [smem:$0x3FB7]  }
0x2f: {  	lr =	sadd.s32 s0, s3;
	s0 =	sld [smem:$0x3FAE]  }
0x30: {  	s3 =	sld [smem:$0x3FB1]  }
0x31: {  	[smem:$0x3FBA] =	sst s10  }
0x32: {  	s10 =	sld [smem:$0x3FB8];
	_ =	sdelay $0x3  }
0x33: {  	p0 =	seq.s32 s10, $0x1;
	s10 =	sld [smem:$0x3FBA];
	_ =	sdelay $0x3  }
0x34: {  	[smem:$0x3FBA] =	sst s10  }
0x35: {  	s10 =	sld [smem:$0x3FB9];
	_ =	sdelay $0x3  }
0x36: {  	p1 =	seq.s32 s10, $0x1;
	s10 =	sld [smem:$0x3FBA];
	_ =	sdelay $0x3  }
0x37: {  	[smem:$0x3FBA] =	sst s10  }
0x38: {  	s10 =	sld [smem:$0x3FBB]  }
0x39: {  	_ = 	snop;
	(pc) =	sbr.ind lr, $3  }
0x3a: {  	_ = 	snop  }
0x3b: {  	_ = 	snop  }
0x3c: {  	p2 =	seq.s32 s10, $0x1;
	s10 =	sld [smem:$0x3FBA]  }
0x3d: {  	_ =	shalt  }
0x3e: {  	_ =	shalt  }
0x3f: {  	_ =	shalt  }
0x40: {  	_ =	shalt  }
0x41: {  	_ =	shalt  }
0x42: {  	_ =	shalt  }
0x43: {  	_ =	shalt  }
0x44: {  	_ =	shalt  }
0x45: {  	_ =	shalt  }
0x46: {  	_ =	shalt  }
0x47: {  	_ =	shalt  }
0x48: {  	_ =	shalt  }
0x49: {  	_ =	shalt  }
0x4a: {  	_ =	shalt  }
0x4b: {  	_ =	shalt  }
0x4c: {  	_ =	shalt  }
0x4d: {  	_ =	shalt  }
0x4e: {  	_ =	shalt  }
0x4f: {  	_ =	shalt  }
0x50: {  	_ =	shalt  }
0x51: {  	_ =	shalt  }
0x52: {  	_ =	shalt  }
0x53: {  	_ =	shalt  }
0x54: {  	_ =	shalt  }
0x55: {  	_ =	shalt  }
0x56: {  	_ =	shalt  }
0x57: {  	_ =	shalt  }
0x58: {  	_ =	shalt  }
0x59: {  	_ =	shalt  }
0x5a: {  	_ =	shalt  }
0x5b: {  	_ =	shalt  }
0x5c: {  	_ =	shalt  }
0x5d: {  	_ =	shalt  }
0x5e: {  	_ =	shalt  }
0x5f: {  	_ =	shalt  }
0x60: {  	_ =	shalt  }
0x61: {  	_ =	shalt  }
0x62: {  	_ =	shalt  }
0x63: {  	_ =	shalt  }
0x64: {  	_ =	shalt  }
0x65: {  	_ =	shalt  }
0x66: {  	_ =	shalt  }
0x67: {  	_ =	shalt  }
0x68: {  	_ =	shalt  }
0x69: {  	_ =	shalt  }
0x6a: {  	_ =	shalt  }
0x6b: {  	_ =	shalt  }
0x6c: {  	_ =	shalt  }
0x6d: {  	_ =	shalt  }
0x6e: {  	_ =	shalt  }
0x6f: {  	_ =	shalt  }
0x70: {  	_ =	shalt  }
0x71: {  	_ =	shalt  }
0x72: {  	_ =	shalt  }
0x73: {  	_ =	shalt  }
0x74: {  	_ =	shalt  }
0x75: {  	_ =	shalt  }
0x76: {  	_ =	shalt  }
0x77: {  	_ =	shalt  }
0x78: {  	_ =	shalt  }
0x79: {  	_ =	shalt  }
0x7a: {  	_ =	shalt  }
0x7b: {  	_ =	shalt  }
0x7c: {  	_ =	shalt  }
0x7d: {  	_ =	shalt  }
0x7e: {  	_ =	shalt  }
0x7f: {  	_ =	shalt  }
0x80: {  	_ =	shalt  }
0x81: {  	_ =	shalt  }
0x82: {  	_ =	shalt  }
0x83: {  	_ =	shalt  }
0x84: {  	_ =	shalt  }
0x85: {  	_ =	shalt  }
0x86: {  	_ =	shalt  }
0x87: {  	_ =	shalt  }
.Lfunc_end0:
.L_simem_size_0:
called_computation_lowered:
.L_overlay_start_0:
0x88: {  	s2 =	sld [smem:$0x3FD9]  }
0x89: {  	s3 =	sld [smem:$0x3FFE];
	_ =	sdelay $0x1  }
0x8a: {  	s1 =	srdreg.scid  }
0x8b: {  	s0 =	sand.u32 $0x1, s1  }
0x8c: {  	s17 =	sshll.u32 s0, $0xA;
	s2 =	sadd.s32 s3, s2  }
0x8d: {  	s2 =	sadd.s32 s2, s17  }
0x8e: {  	[smem:$0x3FC6] =	sst s2  }
0x8f: {  	_ = 	snop  }
0x90: {  	s2 =	sld [smem:$0x3FD0];
	(tm) =	ssettm $0x1  }
0x91: {  	s18 =	sld [smem:$0x3FFB];
	_ =	sdelay $0x3  }
0x92: {  	_ =	strace s18  }
0x93: {  	s3 =	sld [smem:$0x3FFC];
	_ =	sdelay $0x3  }
0x94: {  	_ =	strace s3  }
0x95: {  	s3 =	sld [smem:$0x3FFD];
	_ =	sdelay $0x3  }
0x96: {  	_ =	strace s3  }
0x97: {  	_ =	strace $0x8FFFFFFF  }
0x98: {  	s19 =	sld [smem:$0x3FDB];
	_ =	sdelay $0x1  }
0x99: {  	s4 =	simm.s32 $_scs_section_size  }
0x9a: {  	s5 =	simm.s32 $_size__tile_overlayer_lowered;
	s6 =	simm.s32 $_tile_overlayer_lowered  }
0x9b: {  	s22 =	simm.s32 $0x1BFF;
	s21 =	sshll.u32 s6, $0x1;
	s3 =	sadd.s32 s4, s19  }
0x9c: {  	s7 =	simm.s32 $0x0;
	s20 =	sshll.u32 s5, $0x1;
	s5 =	sadd.s32 s21, s3  }
0x9d: {  	[timem:s7], [sflag:s22] =	dma.local [hbm:s5], s20  }
0x9e: {  	_ =	swait.ge [sflag:s22], s20  }
0x9f: {  	s4 =	ssub.s32 $0x0, s20;
	[sflag:s22] =	ssyncset.done $0x0  }
0xa0: {  	[sflag:s22] =	ssyncadd.s32 s4;
	_ =	sdelay $0x1  }
0xa1: {  	s23 =	simm.s32 $0x1B8B  }
0xa2: {  	_ =	swait.ge [sflag:s23], $0x1  }
0xa3: {  	[sflag:s23] =	ssyncset.done $0x0  }
0xa4: {  	s25 =	simm.s32 $0x1B8E;
	s24 =	sld [smem:$0x3FFE];
	[sflag:s23] =	ssyncadd.s32 $0xFFFFFFFF  }
0xa5: {  	s26 =	simm.s32 $execute0_lowered;
	[smem:$0x3FD2] =	sst s25  }
0xa6: {  	s5 =	sshll.u32 s26, $0x1;
	_ =	strace $0x80000046;
	[dreg:$0x1] =	wrdreg $0xFFFFFFFF  }
0xa7: {  	s28 =	simm.s32 $_size_execute0_lowered;
	s3 =	sadd.s32 s3, s5;
	[dreg:$0x0] =	wrdreg $0x0  }
0xa8: {  	s5 =	sshll.u32 s28, $0x1;
	[dreg:$0x2] =	wrdreg s3  }
0xa9: {  	[dreg:$0x3] =	wrdreg s5  }
0xaa: {  	[dreg:$0x4] =	wrdreg $0xC0  }
0xab: {  	_ =	task [dreg:s7], $0x5FFFF  }
0xac: {  	[dreg:$0x1] =	wrdreg $0xFFFFFFFF  }
0xad: {  	[dreg:$0x0] =	wrdreg $0x60  }
0xae: {  	[dreg:$0x2] =	wrdreg s24  }
0xaf: {  	[dreg:$0x3] =	wrdreg s2  }
0xb0: {  	[dreg:$0x4] =	wrdreg $0x9  }
0xb1: {  	_ =	task.clear_ibuf [dreg:s7], $0x5FFFF;
	_ =	strace $0x90000046  }
0xb2: {  	s29 =	simm.s32 $0x9;
	_ =	strace $0x80000048  }
0xb3: {  	_ =	swait.ge [sflag:s29], $0x1  }
0xb4: {  	[sflag:s29] =	ssyncadd.s32 $0xFFFFFFFF  }
0xb5: {  	_ =	strace $0x90000048  }
0xb6: {  	_ =	sfence  }
0xb7: {  	s30 =	sld [smem:$0x0];
	_ =	sdelay $0x2  }
0xb8: {  	s31 =	sshll.u32 s1, $0xD;
	s1 =	sshrl.u32 s1, $0x2  }
0xb9: {  	s3 =	sand.u32 $0x4000, s31;
	s1 =	sadd.s32 s1, s30  }
0xba: {  	s0 =	sor.u32 s3, s0;
	s1 =	sshll.u32 s1, $0x11  }
0xbb: {  	s0 =	sor.u32 s1, s0  }
0xbc: {  	s0 =	sadd.s32 $0x8F2B, s0  }
0xbd: {  	[sflag:s0] =	ssyncadd.remote.s32 $0x1  }
0xbe: {  	_ =	sfence.sel $0xFFFF  }
0xbf: {  	[dreg:$0x0] =	wrdreg $0xFFFFFFFF;
	(pc) =	sbr.abs _section_cstart, $3  }
0xc0: {  	[dreg:$0x1] =	wrdreg $0xFFFFFFFF  }
0xc1: {  	_ =	task.clear_ibuf [dreg:s7], $0x2FFFF;
	_ =	strace $0x9FFFFFFF  }
0xc2: {  	(tm) =	ssettm $0x7FFFFFFF  }
0xc3: {  	_ =	shalt  }
tec
execute0_lowered:
.L_overlay_start_1:
0x0: {  	(tag) =	ssettag $0x1  }
0x1: {  	s0 =	rddreg [dreg:$0x0];
	s1 =	srdreg.scid  }
0x2: {  	s3 =	stileid.u32;
	s2 =	rddreg [dreg:$0x1]  }
0x3: {  	s9 =	simm.s32 $0x6400;
	s25 =	simm.s32 $0xE400;
	s8 =	simm.s32 $0x13400  }
0x4: {  	s10 =	simm.s32 $0x13C00;
	s11 =	simm.s32 $0x14400;
	s12 =	simm.s32 $0x14C00  }
0x5: {  	s13 =	simm.s32 $0x15400;
	s14 =	simm.s32 $0x15C00;
	s15 =	simm.s32 $0x1  }
0x6: {  	s16 =	simm.s32 $0x400;
	s17 =	simm.s32 $0x20000;
	s18 =	simm.s32 $0x16400  }
0x7: {  	s19 =	simm.s32 $0x2;
	s1 =	sand.u32 $0x1, s1;
	s4 =	sshll.u32 s3, $0x1  }
0x8: {  	s20 =	simm.s32 $0x18400;
	s22 =	simm.s32 $0x0;
	s5 =	sor.u32 s1, s4  }
0x9: {  	s3 =	simm.s32 $0x0;
	s1 =	ssub.s32 $0x2, s1;
	s4 =	smul.u32 $0xC80, s5  }
.Ltmp0:
0xa: {  	[smem:$0x7FF] =	sst s3;
	s6 =	sshrl.u32 s1, $0x1;
	(pc) =	sbr.rel .LBB2_1-.Ltmp0, $4  }
0xb: {  	_ =	strace $0x80000047;
	s5 =	smul.u32 $0xC8, s5;
	s30 =	ssub.s32 s1, s6  }
0xc: {  	v3 =	vlaneseq.u32;
	vm0 =	vmmov $0xff;
	s7 =	sadd.s32 s4, s0;
	s4 =	sadd.s32 $0xF5BA00, s0;
	s0 =	smax.u32 s30, $0x1  }
0xd: {  	v1 =	vshrl.u32 v3, $0x3;
	v0 =	vand.u32 $0x7, v3;
	v2 =	vor.u32 $0x8, v3;
	s6 =	simm.s32 $0x12400;
	s31 =	sadd.s32 $0xF42A00, s7;
	[dreg:$0x4] =	wrdreg s0  }
0xe: {  	v3 =	vmul.u32 $0x100, v3;
	v1 =	vmul.u32 $0x8, v1;
	v4 =	vmul.u32 $0x80, v0;
	s0 =	simm.s32 $0x11C00;
	s7 =	simm.s32 $0x12C00;
	[dreg:$0x3] =	wrdreg s31  }
.LBB2_14:
0xf: {  	s1 =	simm.s32 $0x3  }
0x10: {  	_ =	swait.ge [sflag:s1], $0x2000  }
0x11: {  	[sflag:s1] =	ssyncset.done $0x0  }
0x12: {  	s21 =	simm.s32 $0x4;
	[sflag:s1] =	ssyncadd.s32 $0xFFFFE000  }
0x13: {  	_ =	swait.ge [sflag:s21], $0x2000  }
0x14: {  	s22 =	rddreg [dreg:$0x5]  }
0x15: {  	s31 =	rddreg [dreg:$0x4];
	s22 =	sadd.s32 $0x1, s22  }
0x16: {  	p0 =	sne.s32 s22, s31  }
.Ltmp1:
0x17: {  	_ = 	snop;
	(pc) =	sbr.rel @!p0 .LBB2_15-.Ltmp1, $3  }
0x18: {  	_ =	sdelay $0x1  }
0x19: {  	[sflag:s21] =	ssyncset.done $0x0  }
0x1a: {  	[sflag:s21] =	ssyncadd.s32 $0xFFFFE000  }
.LBB2_1:
0x1b: {  	[dreg:$0x5] =	wrdreg s22  }
0x1c: {  	s1 =	rddreg [dreg:$0x3];
	s28 =	simm.s32 $0x5  }
0x1d: {  	[tilespmem:s3], [sflag:$0x5] =	stream.linear.gather [hbm4b:s1+s3], $0x6400, $0x38;
	[tilespmem:$0x1A400] =	vst v63  }
0x1e: {  	_ =	swait.ge [sflag:s28], $0x6400  }
0x1f: {  	[sflag:s28] =	ssyncset.done $0x0  }
0x20: {  	[sflag:s28] =	ssyncadd.s32 $0xFFFF9C00  }
0x21: {  	v5 =	vld [tilespmem:$0x0];
	_ =	sdelay $0x4  }
0x22: {  	v6 =	vperm.xlane v5, v0;
	_ =	sdelay $0x1  }
0x23: {  	v5 =	vperm.xlane v5, v2;
	v6 =	vadd.s32 v1, v6;
	_ =	sdelay $0x1  }
0x24: {  	v5 =	vadd.s32 v1, v5;
	_ =	sdelay $0x2  }
0x25: {  	[tilespmem:s9], [sflag:$0x1] =	stream.indirect_vreg.gather [hbm4b:s4+s3], $0x80, v6, vm0, $0xb8;
	[tilespmem:$0x1A400] =	vst v63  }
0x26: {  	s29 =	simm.s32 $0x6C00  }
0x27: {  	[tilespmem:s29], [sflag:$0x1] =	stream.indirect_vreg.gather [hbm4b:s4+s3], $0x80, v5, vm0, $0xb8;
	[tilespmem:$0x1A400] =	vst v63  }
0x28: {  	v5 =	vld [tilespmem:$0x10];
	_ =	sdelay $0x4  }
0x29: {  	v6 =	vperm.xlane v5, v0;
	_ =	sdelay $0x1  }
0x2a: {  	v5 =	vperm.xlane v5, v2;
	v6 =	vadd.s32 v1, v6;
	_ =	sdelay $0x1  }
0x2b: {  	v5 =	vadd.s32 v1, v5;
	_ =	sdelay $0x1  }
0x2c: {  	s30 =	simm.s32 $0x7400  }
0x2d: {  	[tilespmem:s30], [sflag:$0x1] =	stream.indirect_vreg.gather [hbm4b:s4+s3], $0x80, v6, vm0, $0xb8;
	[tilespmem:$0x1A400] =	vst v63  }
0x2e: {  	s31 =	simm.s32 $0x7C00  }
0x2f: {  	[tilespmem:s31], [sflag:$0x1] =	stream.indirect_vreg.gather [hbm4b:s4+s3], $0x80, v5, vm0, $0xb8;
	[tilespmem:$0x1A400] =	vst v63  }
0x30: {  	v5 =	vld [tilespmem:$0x20];
	_ =	sdelay $0x4  }
0x31: {  	v6 =	vperm.xlane v5, v0;
	_ =	sdelay $0x1  }
0x32: {  	v5 =	vperm.xlane v5, v2;
	v6 =	vadd.s32 v1, v6;
	_ =	sdelay $0x1  }
0x33: {  	v5 =	vadd.s32 v1, v5;
	_ =	sdelay $0x1  }
0x34: {  	s21 =	simm.s32 $0x8400  }
0x35: {  	[tilespmem:s21], [sflag:$0x1] =	stream.indirect_vreg.gather [hbm4b:s4+s3], $0x80, v6, vm0, $0xb8;
	[tilespmem:$0x1A400] =	vst v63  }
0x36: {  	s22 =	simm.s32 $0x8C00  }
0x37: {  	[tilespmem:s22], [sflag:$0x1] =	stream.indirect_vreg.gather [hbm4b:s4+s3], $0x80, v5, vm0, $0xb8;
	[tilespmem:$0x1A400] =	vst v63  }
0x38: {  	v5 =	vld [tilespmem:$0x30];
	_ =	sdelay $0x4  }
0x39: {  	v6 =	vperm.xlane v5, v0;
	_ =	sdelay $0x1  }
0x3a: {  	v5 =	vperm.xlane v5, v2;
	v6 =	vadd.s32 v1, v6;
	_ =	sdelay $0x1  }
0x3b: {  	v5 =	vadd.s32 v1, v5;
	_ =	sdelay $0x1  }
0x3c: {  	s23 =	simm.s32 $0x9400  }
0x3d: {  	[tilespmem:s23], [sflag:$0x1] =	stream.indirect_vreg.gather [hbm4b:s4+s3], $0x80, v6, vm0, $0xb8;
	[tilespmem:$0x1A400] =	vst v63  }
0x3e: {  	s24 =	simm.s32 $0x9C00  }
0x3f: {  	[tilespmem:s24], [sflag:$0x1] =	stream.indirect_vreg.gather [hbm4b:s4+s3], $0x80, v5, vm0, $0xb8;
	[tilespmem:$0x1A400] =	vst v63  }
0x40: {  	v5 =	vld [tilespmem:$0x40];
	_ =	sdelay $0x4  }
0x41: {  	v6 =	vperm.xlane v5, v0;
	_ =	sdelay $0x1  }
0x42: {  	v5 =	vperm.xlane v5, v2;
	v6 =	vadd.s32 v1, v6;
	_ =	sdelay $0x1  }
0x43: {  	v5 =	vadd.s32 v1, v5;
	_ =	sdelay $0x1  }
0x44: {  	s26 =	simm.s32 $0xA400  }
0x45: {  	[tilespmem:s26], [sflag:$0x1] =	stream.indirect_vreg.gather [hbm4b:s4+s3], $0x80, v6, vm0, $0xb8;
	[tilespmem:$0x1A400] =	vst v63  }
0x46: {  	s28 =	simm.s32 $0xAC00  }
0x47: {  	[tilespmem:s28], [sflag:$0x1] =	stream.indirect_vreg.gather [hbm4b:s4+s3], $0x80, v5, vm0, $0xb8;
	[tilespmem:$0x1A400] =	vst v63  }
0x48: {  	v5 =	vld [tilespmem:$0x50];
	_ =	sdelay $0x4  }
0x49: {  	v6 =	vperm.xlane v5, v0;
	_ =	sdelay $0x1  }
0x4a: {  	v5 =	vperm.xlane v5, v2;
	v6 =	vadd.s32 v1, v6;
	_ =	sdelay $0x1  }
0x4b: {  	v5 =	vadd.s32 v1, v5;
	_ =	sdelay $0x1  }
0x4c: {  	s29 =	simm.s32 $0xB400  }
0x4d: {  	[tilespmem:s29], [sflag:$0x1] =	stream.indirect_vreg.gather [hbm4b:s4+s3], $0x80, v6, vm0, $0xb8;
	[tilespmem:$0x1A400] =	vst v63  }
0x4e: {  	s30 =	simm.s32 $0xBC00  }
0x4f: {  	[tilespmem:s30], [sflag:$0x1] =	stream.indirect_vreg.gather [hbm4b:s4+s3], $0x80, v5, vm0, $0xb8;
	[tilespmem:$0x1A400] =	vst v63  }
0x50: {  	v5 =	vld [tilespmem:$0x60];
	_ =	sdelay $0x4  }
0x51: {  	v6 =	vperm.xlane v5, v0;
	_ =	sdelay $0x1  }
0x52: {  	v5 =	vperm.xlane v5, v2;
	v6 =	vadd.s32 v1, v6;
	_ =	sdelay $0x1  }
0x53: {  	v5 =	vadd.s32 v1, v5;
	_ =	sdelay $0x1  }
0x54: {  	s31 =	simm.s32 $0xC400  }
0x55: {  	[tilespmem:s31], [sflag:$0x1] =	stream.indirect_vreg.gather [hbm4b:s4+s3], $0x80, v6, vm0, $0xb8;
	[tilespmem:$0x1A400] =	vst v63  }
0x56: {  	s21 =	simm.s32 $0xCC00  }
0x57: {  	[tilespmem:s21], [sflag:$0x1] =	stream.indirect_vreg.gather [hbm4b:s4+s3], $0x80, v5, vm0, $0xb8;
	[tilespmem:$0x1A400] =	vst v63  }
0x58: {  	v5 =	vld [tilespmem:$0x70];
	_ =	sdelay $0x4  }
0x59: {  	v6 =	vperm.xlane v5, v0;
	_ =	sdelay $0x1  }
0x5a: {  	v5 =	vperm.xlane v5, v2;
	v6 =	vadd.s32 v1, v6;
	_ =	sdelay $0x1  }
0x5b: {  	v5 =	vadd.s32 v1, v5;
	_ =	sdelay $0x1  }
0x5c: {  	s22 =	simm.s32 $0xD400  }
0x5d: {  	[tilespmem:s22], [sflag:$0x1] =	stream.indirect_vreg.gather [hbm4b:s4+s3], $0x80, v6, vm0, $0xb8;
	[tilespmem:$0x1A400] =	vst v63  }
0x5e: {  	s23 =	simm.s32 $0xDC00  }
0x5f: {  	[tilespmem:s23], [sflag:$0x1] =	stream.indirect_vreg.gather [hbm4b:s4+s3], $0x80, v5, vm0, $0xb8;
	[tilespmem:$0x1A400] =	vst v63  }
0x60: {  	v5 =	vld [tilespmem:$0x80];
	_ =	sdelay $0x4  }
0x61: {  	v6 =	vperm.xlane v5, v0;
	_ =	sdelay $0x1  }
0x62: {  	v5 =	vperm.xlane v5, v2;
	v6 =	vadd.s32 v1, v6;
	_ =	sdelay $0x1  }
0x63: {  	v5 =	vadd.s32 v1, v5;
	_ =	sdelay $0x2  }
0x64: {  	[tilespmem:s25], [sflag:$0x2] =	stream.indirect_vreg.gather [hbm4b:s4+s3], $0x80, v6, vm0, $0xb8;
	[tilespmem:$0x1A400] =	vst v63  }
0x65: {  	s24 =	simm.s32 $0xEC00  }
0x66: {  	[tilespmem:s24], [sflag:$0x2] =	stream.indirect_vreg.gather [hbm4b:s4+s3], $0x80, v5, vm0, $0xb8;
	[tilespmem:$0x1A400] =	vst v63  }
0x67: {  	v5 =	vld [tilespmem:$0x90];
	_ =	sdelay $0x4  }
0x68: {  	v6 =	vperm.xlane v5, v0;
	_ =	sdelay $0x1  }
0x69: {  	v5 =	vperm.xlane v5, v2;
	v6 =	vadd.s32 v1, v6;
	_ =	sdelay $0x1  }
0x6a: {  	v5 =	vadd.s32 v1, v5;
	_ =	sdelay $0x1  }
0x6b: {  	s26 =	simm.s32 $0xF400  }
0x6c: {  	[tilespmem:s26], [sflag:$0x2] =	stream.indirect_vreg.gather [hbm4b:s4+s3], $0x80, v6, vm0, $0xb8;
	[tilespmem:$0x1A400] =	vst v63  }
0x6d: {  	s28 =	simm.s32 $0xFC00  }
0x6e: {  	[tilespmem:s28], [sflag:$0x2] =	stream.indirect_vreg.gather [hbm4b:s4+s3], $0x80, v5, vm0, $0xb8;
	[tilespmem:$0x1A400] =	vst v63  }
0x6f: {  	v5 =	vld [tilespmem:$0xA0];
	_ =	sdelay $0x4  }
0x70: {  	v6 =	vperm.xlane v5, v0;
	_ =	sdelay $0x1  }
0x71: {  	v5 =	vperm.xlane v5, v2;
	v6 =	vadd.s32 v1, v6;
	_ =	sdelay $0x1  }
0x72: {  	v5 =	vadd.s32 v1, v5;
	_ =	sdelay $0x1  }
0x73: {  	s29 =	simm.s32 $0x10400  }
0x74: {  	[tilespmem:s29], [sflag:$0x2] =	stream.indirect_vreg.gather [hbm4b:s4+s3], $0x80, v6, vm0, $0xb8;
	[tilespmem:$0x1A400] =	vst v63  }
0x75: {  	s30 =	simm.s32 $0x10C00  }
0x76: {  	[tilespmem:s30], [sflag:$0x2] =	stream.indirect_vreg.gather [hbm4b:s4+s3], $0x80, v5, vm0, $0xb8;
	[tilespmem:$0x1A400] =	vst v63  }
0x77: {  	v5 =	vld [tilespmem:$0xB0];
	_ =	sdelay $0x4  }
0x78: {  	v6 =	vperm.xlane v5, v0;
	_ =	sdelay $0x1  }
0x79: {  	v5 =	vperm.xlane v5, v2;
	v6 =	vadd.s32 v1, v6;
	_ =	sdelay $0x1  }
0x7a: {  	v5 =	vadd.s32 v1, v5;
	_ =	sdelay $0x1  }
0x7b: {  	s31 =	simm.s32 $0x11400  }
0x7c: {  	[tilespmem:s31], [sflag:$0x2] =	stream.indirect_vreg.gather [hbm4b:s4+s3], $0x80, v6, vm0, $0xb8;
	[tilespmem:$0x1A400] =	vst v63  }
0x7d: {  	_ = 	snop  }
0x7e: {  	[tilespmem:s0], [sflag:$0x2] =	stream.indirect_vreg.gather [hbm4b:s4+s3], $0x80, v5, vm0, $0xb8;
	[tilespmem:$0x1A400] =	vst v63  }
0x7f: {  	v5 =	vld [tilespmem:$0xC0];
	_ =	sdelay $0x4  }
0x80: {  	v6 =	vperm.xlane v5, v0;
	_ =	sdelay $0x1  }
0x81: {  	v5 =	vperm.xlane v5, v2;
	v6 =	vadd.s32 v1, v6;
	_ =	sdelay $0x1  }
0x82: {  	v5 =	vadd.s32 v1, v5;
	_ =	sdelay $0x2  }
0x83: {  	[tilespmem:s6], [sflag:$0x2] =	stream.indirect_vreg.gather [hbm4b:s4+s3], $0x80, v6, vm0, $0xb8;
	[tilespmem:$0x1A400] =	vst v63  }
0x84: {  	_ = 	snop  }
0x85: {  	[tilespmem:s7], [sflag:$0x2] =	stream.indirect_vreg.gather [hbm4b:s4+s3], $0x80, v5, vm0, $0xb8;
	[tilespmem:$0x1A400] =	vst v63  }
0x86: {  	v5 =	vld [tilespmem:$0xD0];
	_ =	sdelay $0x4  }
0x87: {  	v6 =	vperm.xlane v5, v0;
	_ =	sdelay $0x1  }
0x88: {  	v5 =	vperm.xlane v5, v2;
	v6 =	vadd.s32 v1, v6;
	_ =	sdelay $0x1  }
0x89: {  	v5 =	vadd.s32 v1, v5;
	_ =	sdelay $0x2  }
0x8a: {  	[tilespmem:s8], [sflag:$0x2] =	stream.indirect_vreg.gather [hbm4b:s4+s3], $0x80, v6, vm0, $0xb8;
	[tilespmem:$0x1A400] =	vst v63  }
0x8b: {  	_ = 	snop  }
0x8c: {  	[tilespmem:s10], [sflag:$0x2] =	stream.indirect_vreg.gather [hbm4b:s4+s3], $0x80, v5, vm0, $0xb8;
	[tilespmem:$0x1A400] =	vst v63  }
0x8d: {  	v5 =	vld [tilespmem:$0xE0];
	_ =	sdelay $0x4  }
0x8e: {  	v6 =	vperm.xlane v5, v0;
	_ =	sdelay $0x1  }
0x8f: {  	v5 =	vperm.xlane v5, v2;
	v6 =	vadd.s32 v1, v6;
	_ =	sdelay $0x1  }
0x90: {  	v5 =	vadd.s32 v1, v5;
	_ =	sdelay $0x2  }
0x91: {  	[tilespmem:s11], [sflag:$0x2] =	stream.indirect_vreg.gather [hbm4b:s4+s3], $0x80, v6, vm0, $0xb8;
	[tilespmem:$0x1A400] =	vst v63  }
0x92: {  	_ = 	snop  }
0x93: {  	[tilespmem:s12], [sflag:$0x2] =	stream.indirect_vreg.gather [hbm4b:s4+s3], $0x80, v5, vm0, $0xb8;
	[tilespmem:$0x1A400] =	vst v63  }
0x94: {  	v5 =	vld [tilespmem:$0xF0];
	_ =	sdelay $0x4  }
0x95: {  	v6 =	vperm.xlane v5, v0;
	_ =	sdelay $0x1  }
0x96: {  	v5 =	vperm.xlane v5, v2;
	v6 =	vadd.s32 v1, v6;
	_ =	sdelay $0x1  }
0x97: {  	v5 =	vadd.s32 v1, v5;
	_ =	sdelay $0x2  }
0x98: {  	[tilespmem:s13], [sflag:$0x2] =	stream.indirect_vreg.gather [hbm4b:s4+s3], $0x80, v6, vm0, $0xb8;
	[tilespmem:$0x1A400] =	vst v63  }
0x99: {  	s21 =	simm.s32 $0x0  }
0x9a: {  	[tilespmem:s14], [sflag:$0x2] =	stream.indirect_vreg.gather [hbm4b:s4+s3], $0x80, v5, vm0, $0xb8;
	[tilespmem:$0x1A400] =	vst v63  }
.LBB2_2:
0x9b: {  	_ =	swait.ge [sflag:s15], $0x4000  }
0x9c: {  	p0 =	seq.s32 s21, $0x0;
	[sflag:s15] =	ssyncset.done $0x0  }
0x9d: {  	s23 =	simm.s32 @!p0 $0x3;
	[sflag:s15] =	ssyncadd.s32 $0xFFFFC000  }
0x9e: {  	_ =	swait.ge @!p0 [sflag:s23], $0x2000  }
0x9f: {  	s22 =	sshll.u32 s21, $0x1;
	s29 =	simm.s32 $0x16800;
	[sflag:s23] =	ssyncset.done @!p0 $0x0  }
0xa0: {  	s26 =	simm.s32 $0x0;
	[sflag:s23] =	ssyncadd.s32 @!p0 $0xFFFFE000;
	s23 =	simm.s32 $0x0  }
.LBB2_3:
0xa1: {  	s24 =	sshll.u32 s26, $0x4  }
0xa2: {  	v5 =	vmov s24  }
0xa3: {  	v5 =	vshll.u32 v5, $0x8  }
0xa4: {  	v5 =	vor.u32 v3, v5  }
0xa5: {  	v5 =	vand.u32 $0x7800, v5  }
0xa6: {  	s1 =	simm.s32 $0xF;
	v5 =	vor.u32 v4, v5  }
0xa7: {  	s28 =	simm.s32 $0x1;
	v6 =	vor.u32 s1, v5;
	s1 =	simm.s32 $0x2  }
0xa8: {  	v7 =	vor.u32 s28, v5;
	v8 =	vor.u32 s1, v5;
	s1 =	simm.s32 $0x3  }
0xa9: {  	v9 =	vor.u32 s1, v5;
	s1 =	simm.s32 $0x4  }
0xaa: {  	v10 =	vor.u32 s1, v5;
	s1 =	simm.s32 $0x5  }
0xab: {  	v11 =	vor.u32 s1, v5;
	s1 =	simm.s32 $0x6  }
0xac: {  	v12 =	vld.idx.msk [tilespmem:v6+s9+$0x0], $0xffff;
	v6 =	vor.u32 s1, v5;
	s1 =	simm.s32 $0x7  }
0xad: {  	v7 =	vld.idx.msk [tilespmem:v7+s9+$0x0], $0xffff;
	v13 =	vor.u32 s1, v5;
	s1 =	simm.s32 $0x8  }
0xae: {  	v8 =	vld.idx.msk [tilespmem:v8+s9+$0x0], $0xffff;
	v16 =	vor.u32 s1, v5  }
0xaf: {  	v15 =	vld.idx.msk [tilespmem:v9+s9+$0x0], $0xffff;
	s1 =	simm.s32 $0x9  }
0xb0: {  	v18 =	vld.idx.msk [tilespmem:v10+s9+$0x0], $0xffff;
	v10 =	vor.u32 s1, v5;
	s1 =	simm.s32 $0xA  }
0xb1: {  	v9 =	vld.idx.msk [tilespmem:v11+s9+$0x0], $0xffff;
	v11 =	vor.u32 s1, v5;
	s1 =	simm.s32 $0xB  }
0xb2: {  	v6 =	vld.idx.msk [tilespmem:v6+s9+$0x0], $0xffff;
	v12 =	vmul.f32 $8.000000000e+00, v12;
	v14 =	vor.u32 s1, v5;
	s1 =	simm.s32 $0xC  }
0xb3: {  	s28 =	simm.s32 $0xD;
	v17 =	vmul.f32 $8.000000000e+00, v7;
	v19 =	vmul.f32 $8.000000000e+00, v8;
	v8 =	vld.idx.msk [tilespmem:v16+s9+$0x0], $0xffff;
	v16 =	vor.u32 s1, v5  }
0xb4: {  	v7 =	vld.idx.msk [tilespmem:v13+s9+$0x0], $0xffff;
	v13 =	vor.u32 s28, v5;
	[tilespmem:s29+$0x380] =	vst v12;
	s1 =	simm.s32 $0xE  }
0xb5: {  	s31 =	simm.s32 $0x1F;
	[tilespmem:s29+$0xFFFFFC80] =	vst v17;
	v17 =	vmul.f32 $8.000000000e+00, v15;
	v10 =	vld.idx.msk [tilespmem:v10+s9+$0x0], $0xffff;
	v15 =	vor.u32 s1, v5  }
0xb6: {  	s30 =	simm.s32 $0x20;
	s24 =	smov.u32 s29;
	s28 =	simm.s32 $0x10;
	v12 =	vor.u32 s23, v5;
	[tilespmem:s29+$0xFFFFFD00] =	vst v19;
	v18 =	vmul.f32 $8.000000000e+00, v18;
	v11 =	vld.idx.msk [tilespmem:v11+s9+$0x0], $0xffff  }
.LBB2_4:
0xb7: {  	p1 =	slt.u32 s30, $0x30;
	s1 =	sadd.s32 $0x1, s28;
	v19 =	vor.u32 s31, v5;
	[tilespmem:s24+$0xFFFFFD80] =	vst v17;
	v9 =	vmul.f32 $8.000000000e+00, v9;
	v14 =	vld.idx.msk [tilespmem:v14+s9+$0x0], $0xffff  }
0xb8: {  	v6 =	vmul.f32 $8.000000000e+00, v6;
	v17 =	vor.u32 s1, v5;
	s1 =	sadd.s32 $0x2, s28;
	[tilespmem:s24+$0xFFFFFE00] =	vst v18;
	v16 =	vld.idx.msk [tilespmem:v16+s9+$0x0], $0xffff  }
0xb9: {  	v7 =	vmul.f32 $8.000000000e+00, v7;
	v18 =	vor.u32 s1, v5;
	s1 =	sadd.s32 $0x3, s28;
	[tilespmem:s24+$0xFFFFFE80] =	vst v9;
	v9 =	vld.idx.msk [tilespmem:v13+s9+$0x0], $0xffff  }
0xba: {  	v13 =	vor.u32 s1, v5;
	s1 =	sadd.s32 $0x4, s28;
	[tilespmem:s24+$0xFFFFFF00] =	vst v6;
	v6 =	vmul.f32 $8.000000000e+00, v8;
	v8 =	vld.idx.msk [tilespmem:v15+s9+$0x0], $0xffff  }
0xbb: {  	v15 =	vor.u32 s1, v5;
	s1 =	sadd.s32 $0x5, s28;
	v12 =	vld.idx.msk [tilespmem:v12+s9+$0x0], $0xffff;
	[tilespmem:s24+$0xFFFFFF80] =	vst v7;
	v7 =	vmul.f32 $8.000000000e+00, v10  }
0xbc: {  	v10 =	vor.u32 s1, v5;
	s1 =	sadd.s32 $0x6, s28;
	v19 =	vld.idx.msk [tilespmem:v19+s9+$0x0], $0xffff;
	[tilespmem:s24+$0x0] =	vst v6;
	v6 =	vmul.f32 $8.000000000e+00, v11  }
0xbd: {  	v11 =	vld.idx.msk [tilespmem:v17+s9+$0x0], $0xffff;
	v17 =	vor.u32 s1, v5;
	s1 =	sadd.s32 $0x7, s28;
	[tilespmem:s24+$0x80] =	vst v7;
	v7 =	vmul.f32 $8.000000000e+00, v14  }
0xbe: {  	v18 =	vld.idx.msk [tilespmem:v18+s9+$0x0], $0xffff;
	v20 =	vor.u32 s1, v5;
	s1 =	sadd.s32 $0x8, s28;
	[tilespmem:s24+$0x100] =	vst v6;
	v6 =	vmul.f32 $8.000000000e+00, v16  }
0xbf: {  	v21 =	vld.idx.msk [tilespmem:v13+s9+$0x0], $0xffff;
	v13 =	vor.u32 s1, v5;
	s1 =	sadd.s32 $0x9, s28;
	[tilespmem:s24+$0x180] =	vst v7;
	v7 =	vmul.f32 $8.000000000e+00, v9  }
0xc0: {  	v8 =	vmul.f32 $8.000000000e+00, v8;
	v22 =	vld.idx.msk [tilespmem:v15+s9+$0x0], $0xffff;
	v15 =	vor.u32 s1, v5;
	s1 =	sadd.s32 $0xA, s28;
	[tilespmem:s24+$0x200] =	vst v6  }
0xc1: {  	v9 =	vld.idx.msk [tilespmem:v10+s9+$0x0], $0xffff;
	v23 =	vor.u32 s1, v5;
	s1 =	sadd.s32 $0xB, s28;
	v10 =	vmul.f32 $8.000000000e+00, v12;
	[tilespmem:s24+$0x280] =	vst v7  }
.Ltmp2:
0xc2: {  	v12 =	vmul.f32 $8.000000000e+00, v19;
	v6 =	vld.idx.msk [tilespmem:v17+s9+$0x0], $0xffff;
	v14 =	vor.u32 s1, v5;
	s1 =	sadd.s32 $0xC, s28;
	[tilespmem:s24+$0x300] =	vst v8;
	(pc) =	sbr.rel @p1 .LBB2_4-.Ltmp2, $4  }
0xc3: {  	v11 =	vmul.f32 $8.000000000e+00, v11;
	v7 =	vld.idx.msk [tilespmem:v20+s9+$0x0], $0xffff;
	v16 =	vor.u32 s1, v5;
	s1 =	sadd.s32 $0xD, s28;
	[tilespmem:s24+$0xFFFFFC00] =	vst v10;
	s24 =	sadd.s32 $0x800, s24  }
0xc4: {  	v18 =	vmul.f32 $8.000000000e+00, v18;
	v8 =	vld.idx.msk [tilespmem:v13+s9+$0x0], $0xffff;
	v13 =	vor.u32 s1, v5;
	s1 =	sadd.s32 $0xE, s28;
	[tilespmem:s24+$0x380] =	vst v12  }
0xc5: {  	v17 =	vmul.f32 $8.000000000e+00, v21;
	[tilespmem:s24+$0xFFFFFC80] =	vst v11;
	v10 =	vld.idx.msk [tilespmem:v15+s9+$0x0], $0xffff;
	v15 =	vor.u32 s1, v5  }
0xc6: {  	s31 =	sadd.s32 $0xF, s30;
	v12 =	vor.u32 s28, v5;
	s28 =	smov.u32 s30;
	s30 =	sadd.s32 $0x10, s30;
	[tilespmem:s24+$0xFFFFFD00] =	vst v18;
	v18 =	vmul.f32 $8.000000000e+00, v22;
	v11 =	vld.idx.msk [tilespmem:v23+s9+$0x0], $0xffff  }
0xc7: {  	_ =	sdelay $0x2  }
0xc8: {  	[tilespmem:s24+$0xFFFFFD80] =	vst v17;
	v9 =	vmul.f32 $8.000000000e+00, v9  }
0xc9: {  	s1 =	sadd.s32 $0x1, s28;
	v40 =	vor.u32 s31, v5;
	v14 =	vld.idx.msk [tilespmem:v14+s9+$0x0], $0xffff;
	v6 =	vmul.f32 $8.000000000e+00, v6;
	[tilespmem:s24+$0xFFFFFE00] =	vst v18  }
0xca: {  	s31 =	sadd.s32 $0x2, s28;
	v12 =	vld.idx.msk [tilespmem:v12+s9+$0x0], $0xffff;
	v41 =	vor.u32 s1, v5;
	v7 =	vmul.f32 $8.000000000e+00, v7;
	[tilespmem:s24+$0xFFFFFE80] =	vst v9  }
0xcb: {  	v16 =	vld.idx.msk [tilespmem:v16+s9+$0x0], $0xffff;
	s30 =	sadd.s32 $0x3, s28;
	v42 =	vor.u32 s31, v5;
	[tilespmem:s24+$0xFFFFFF00] =	vst v6;
	v6 =	vmul.f32 $8.000000000e+00, v8  }
0xcc: {  	v13 =	vld.idx.msk [tilespmem:v13+s9+$0x0], $0xffff;
	v43 =	vor.u32 s30, v5;
	s31 =	sadd.s32 $0x4, s28;
	s30 =	sadd.s32 $0x5, s28;
	[tilespmem:s24+$0xFFFFFF80] =	vst v7;
	v7 =	vmul.f32 $8.000000000e+00, v10  }
0xcd: {  	v15 =	vld.idx.msk [tilespmem:v15+s9+$0x0], $0xffff;
	v44 =	vor.u32 s31, v5;
	v45 =	vor.u32 s30, v5;
	s31 =	sadd.s32 $0x6, s28;
	s30 =	sadd.s32 $0x7, s28;
	[tilespmem:s24+$0x0] =	vst v6;
	v6 =	vmul.f32 $8.000000000e+00, v11  }
0xce: {  	v47 =	vor.u32 s31, v5;
	v48 =	vor.u32 s30, v5;
	s31 =	sadd.s32 $0x8, s28;
	s30 =	sadd.s32 $0x9, s28;
	v17 =	vld.idx.msk [tilespmem:v40+s9+$0x0], $0xffff;
	[tilespmem:s24+$0x80] =	vst v7;
	v7 =	vmul.f32 $8.000000000e+00, v14  }
0xcf: {  	v49 =	vor.u32 s31, v5;
	v50 =	vor.u32 s30, v5;
	s31 =	sadd.s32 $0xA, s28;
	s30 =	sadd.s32 $0xB, s28;
	v12 =	vmul.f32 $8.000000000e+00, v12;
	v46 =	vld.idx.msk [tilespmem:v41+s9+$0x0], $0xffff;
	[tilespmem:s24+$0x100] =	vst v6  }
0xd0: {  	v51 =	vor.u32 s31, v5;
	v52 =	vor.u32 s30, v5;
	s31 =	sadd.s32 $0xC, s28;
	s30 =	sadd.s32 $0xD, s28;
	v6 =	vmul.f32 $8.000000000e+00, v16;
	v9 =	vld.idx.msk [tilespmem:v42+s9+$0x0], $0xffff;
	[tilespmem:s24+$0x180] =	vst v7  }
0xd1: {  	v8 =	vld.idx.msk [tilespmem:v43+s9+$0x0], $0xffff;
	v54 =	vor.u32 s31, v5;
	v55 =	vor.u32 s30, v5;
	s31 =	sadd.s32 $0xE, s28;
	v7 =	vmul.f32 $8.000000000e+00, v13;
	[tilespmem:s24+$0xFFFFFC00] =	vst v12  }
0xd2: {  	v10 =	vld.idx.msk [tilespmem:v44+s9+$0x0], $0xffff;
	v57 =	vor.u32 s31, v5;
	v5 =	vor.u32 s28, v5;
	[tilespmem:s24+$0x200] =	vst v6;
	v6 =	vmul.f32 $8.000000000e+00, v15  }
0xd3: {  	[tilespmem:s24+$0x280] =	vst v7;
	v7 =	vld.idx.msk [tilespmem:v45+s9+$0x0], $0xffff;
	v17 =	vmul.f32 $8.000000000e+00, v17  }
0xd4: {  	[tilespmem:s24+$0x300] =	vst v6;
	v6 =	vld.idx.msk [tilespmem:v47+s9+$0x0], $0xffff;
	s24 =	sadd.s32 $0x800, s24;
	v14 =	vmul.f32 $8.000000000e+00, v46  }
0xd5: {  	v53 =	vld.idx.msk [tilespmem:v48+s9+$0x0], $0xffff;
	v9 =	vmul.f32 $8.000000000e+00, v9;
	[tilespmem:s24+$0x380] =	vst v17  }
0xd6: {  	v13 =	vld.idx.msk [tilespmem:v49+s9+$0x0], $0xffff;
	v8 =	vmul.f32 $8.000000000e+00, v8;
	[tilespmem:s24+$0xFFFFFC80] =	vst v14  }
0xd7: {  	v58 =	vmul.f32 $8.000000000e+00, v10;
	v5 =	vld.idx.msk [tilespmem:v5+s9+$0x0], $0xffff;
	[tilespmem:s24+$0xFFFFFD00] =	vst v9  }
0xd8: {  	v56 =	vld.idx.msk [tilespmem:v50+s9+$0x0], $0xffff;
	[tilespmem:s24+$0xFFFFFD80] =	vst v8;
	v7 =	vmul.f32 $8.000000000e+00, v7  }
0xd9: {  	v59 =	vld.idx.msk [tilespmem:v51+s9+$0x0], $0xffff;
	[tilespmem:s24+$0xFFFFFE00] =	vst v58;
	v6 =	vmul.f32 $8.000000000e+00, v6  }
0xda: {  	v60 =	vld.idx.msk [tilespmem:v52+s9+$0x0], $0xffff;
	[tilespmem:s24+$0xFFFFFE80] =	vst v7;
	v7 =	vmul.f32 $8.000000000e+00, v53  }
0xdb: {  	v61 =	vld.idx.msk [tilespmem:v54+s9+$0x0], $0xffff;
	[tilespmem:s24+$0xFFFFFF00] =	vst v6;
	v6 =	vmul.f32 $8.000000000e+00, v13  }
0xdc: {  	v62 =	vld.idx.msk [tilespmem:v55+s9+$0x0], $0xffff;
	v5 =	vmul.f32 $8.000000000e+00, v5;
	[tilespmem:s24+$0xFFFFFF80] =	vst v7  }
0xdd: {  	v63 =	vld.idx.msk [tilespmem:v57+s9+$0x0], $0xffff;
	v7 =	vmul.f32 $8.000000000e+00, v56;
	[tilespmem:s24+$0x0] =	vst v6  }
0xde: {  	s26 =	sadd.s32 $0x1, s26;
	v6 =	vmul.f32 $8.000000000e+00, v59;
	[tilespmem:s24+$0xFFFFFC00] =	vst v5  }
0xdf: {  	p1 =	sne.s32 s26, $0x8;
	[tilespmem:s24+$0x80] =	vst v7;
	v7 =	vmul.f32 $8.000000000e+00, v60  }
.Ltmp3:
0xe0: {  	[tilespmem:s24+$0x100] =	vst v6;
	v6 =	vmul.f32 $8.000000000e+00, v61;
	(pc) =	sbr.rel @p1 .LBB2_3-.Ltmp3, $4  }
0xe1: {  	[tilespmem:s24+$0x180] =	vst v7;
	v7 =	vmul.f32 $8.000000000e+00, v62  }
0xe2: {  	[tilespmem:s24+$0x200] =	vst v6;
	v6 =	vmul.f32 $8.000000000e+00, v63  }
0xe3: {  	[tilespmem:s24+$0x280] =	vst v7  }
0xe4: {  	s29 =	sadd.s32 $0x10, s29;
	[tilespmem:s24+$0x300] =	vst v6  }
0xe5: {  	s1 =	sadd.s32 s5, s22;
	p1 =	seq.s32 s21, $0x63  }
.Ltmp4:
0xe6: {  	s23 =	sshll.u32 s1, $0x7;
	(pc) =	sbr.rel @p1 .LBB2_8-.Ltmp4, $4  }
0xe7: {  	s1 =	sshll.u32 s1, $0xA;
	s23 =	sand.u32 $0x3F00, s23  }
0xe8: {  	s1 =	sand.u32 $0xFFE0000, s1;
	s23 =	sadd.s32 s2, s23  }
0xe9: {  	s1 =	sadd.s32 s1, s23  }
0xea: {  	[hbm4b:s1+s16] =	stream.strided.scatter [tilespmem:s18], [sflag:$0x3], $0x2000, s17, s16, $0x38;
	[tilespmem:$0x1A400] =	vst v63  }
0xeb: {  	s1 =	sshll.u32 s21, $0x8  }
0xec: {  	s1 =	sand.u32 $0x3FFFFF00, s1  }
0xed: {  	v5 =	vld [tilespmem:s1+$0x100];
	_ =	sdelay $0x4  }
0xee: {  	v6 =	vperm.xlane v5, v0;
	_ =	sdelay $0x1  }
0xef: {  	v5 =	vperm.xlane v5, v2;
	v6 =	vadd.s32 v1, v6;
	_ =	sdelay $0x1  }
0xf0: {  	v5 =	vadd.s32 v1, v5;
	_ =	sdelay $0x2  }
0xf1: {  	[tilespmem:s9], [sflag:$0x1] =	stream.indirect_vreg.gather [hbm4b:s4+s3], $0x80, v6, vm0, $0xb8;
	[tilespmem:$0x1A400] =	vst v63  }
0xf2: {  	s23 =	simm.s32 $0x6C00  }
0xf3: {  	[tilespmem:s23], [sflag:$0x1] =	stream.indirect_vreg.gather [hbm4b:s4+s3], $0x80, v5, vm0, $0xb8;
	[tilespmem:$0x1A400] =	vst v63  }
0xf4: {  	v5 =	vld [tilespmem:s1+$0x110];
	_ =	sdelay $0x4  }
0xf5: {  	v6 =	vperm.xlane v5, v0;
	_ =	sdelay $0x1  }
0xf6: {  	v5 =	vperm.xlane v5, v2;
	v6 =	vadd.s32 v1, v6;
	_ =	sdelay $0x1  }
0xf7: {  	v5 =	vadd.s32 v1, v5;
	_ =	sdelay $0x1  }
0xf8: {  	s30 =	simm.s32 $0x7400  }
0xf9: {  	[tilespmem:s30], [sflag:$0x1] =	stream.indirect_vreg.gather [hbm4b:s4+s3], $0x80, v6, vm0, $0xb8;
	[tilespmem:$0x1A400] =	vst v63  }
0xfa: {  	s31 =	simm.s32 $0x7C00  }
0xfb: {  	[tilespmem:s31], [sflag:$0x1] =	stream.indirect_vreg.gather [hbm4b:s4+s3], $0x80, v5, vm0, $0xb8;
	[tilespmem:$0x1A400] =	vst v63  }
0xfc: {  	v5 =	vld [tilespmem:s1+$0x120];
	_ =	sdelay $0x4  }
0xfd: {  	v6 =	vperm.xlane v5, v0;
	_ =	sdelay $0x1  }
0xfe: {  	v5 =	vperm.xlane v5, v2;
	v6 =	vadd.s32 v1, v6;
	_ =	sdelay $0x1  }
0xff: {  	v5 =	vadd.s32 v1, v5;
	_ =	sdelay $0x1  }
0x100: {  	s24 =	simm.s32 $0x8400  }
0x101: {  	[tilespmem:s24], [sflag:$0x1] =	stream.indirect_vreg.gather [hbm4b:s4+s3], $0x80, v6, vm0, $0xb8;
	[tilespmem:$0x1A400] =	vst v63  }
0x102: {  	s26 =	simm.s32 $0x8C00  }
0x103: {  	[tilespmem:s26], [sflag:$0x1] =	stream.indirect_vreg.gather [hbm4b:s4+s3], $0x80, v5, vm0, $0xb8;
	[tilespmem:$0x1A400] =	vst v63  }
0x104: {  	v5 =	vld [tilespmem:s1+$0x130];
	_ =	sdelay $0x4  }
0x105: {  	v6 =	vperm.xlane v5, v0;
	_ =	sdelay $0x1  }
0x106: {  	v5 =	vperm.xlane v5, v2;
	v6 =	vadd.s32 v1, v6;
	_ =	sdelay $0x1  }
0x107: {  	v5 =	vadd.s32 v1, v5;
	_ =	sdelay $0x1  }
0x108: {  	s28 =	simm.s32 $0x9400  }
0x109: {  	[tilespmem:s28], [sflag:$0x1] =	stream.indirect_vreg.gather [hbm4b:s4+s3], $0x80, v6, vm0, $0xb8;
	[tilespmem:$0x1A400] =	vst v63  }
0x10a: {  	s29 =	simm.s32 $0x9C00  }
0x10b: {  	[tilespmem:s29], [sflag:$0x1] =	stream.indirect_vreg.gather [hbm4b:s4+s3], $0x80, v5, vm0, $0xb8;
	[tilespmem:$0x1A400] =	vst v63  }
0x10c: {  	v5 =	vld [tilespmem:s1+$0x140];
	_ =	sdelay $0x4  }
0x10d: {  	v6 =	vperm.xlane v5, v0;
	_ =	sdelay $0x1  }
0x10e: {  	v5 =	vperm.xlane v5, v2;
	v6 =	vadd.s32 v1, v6;
	_ =	sdelay $0x1  }
0x10f: {  	v5 =	vadd.s32 v1, v5;
	_ =	sdelay $0x1  }
0x110: {  	s30 =	simm.s32 $0xA400  }
0x111: {  	[tilespmem:s30], [sflag:$0x1] =	stream.indirect_vreg.gather [hbm4b:s4+s3], $0x80, v6, vm0, $0xb8;
	[tilespmem:$0x1A400] =	vst v63  }
0x112: {  	s31 =	simm.s32 $0xAC00  }
0x113: {  	[tilespmem:s31], [sflag:$0x1] =	stream.indirect_vreg.gather [hbm4b:s4+s3], $0x80, v5, vm0, $0xb8;
	[tilespmem:$0x1A400] =	vst v63  }
0x114: {  	v5 =	vld [tilespmem:s1+$0x150];
	_ =	sdelay $0x4  }
0x115: {  	v6 =	vperm.xlane v5, v0;
	_ =	sdelay $0x1  }
0x116: {  	v5 =	vperm.xlane v5, v2;
	v6 =	vadd.s32 v1, v6;
	_ =	sdelay $0x1  }
0x117: {  	v5 =	vadd.s32 v1, v5;
	_ =	sdelay $0x1  }
0x118: {  	s24 =	simm.s32 $0xB400  }
0x119: {  	[tilespmem:s24], [sflag:$0x1] =	stream.indirect_vreg.gather [hbm4b:s4+s3], $0x80, v6, vm0, $0xb8;
	[tilespmem:$0x1A400] =	vst v63  }
0x11a: {  	s26 =	simm.s32 $0xBC00  }
0x11b: {  	[tilespmem:s26], [sflag:$0x1] =	stream.indirect_vreg.gather [hbm4b:s4+s3], $0x80, v5, vm0, $0xb8;
	[tilespmem:$0x1A400] =	vst v63  }
0x11c: {  	v5 =	vld [tilespmem:s1+$0x160];
	_ =	sdelay $0x4  }
0x11d: {  	v6 =	vperm.xlane v5, v0;
	_ =	sdelay $0x1  }
0x11e: {  	v5 =	vperm.xlane v5, v2;
	v6 =	vadd.s32 v1, v6;
	_ =	sdelay $0x1  }
0x11f: {  	v5 =	vadd.s32 v1, v5;
	_ =	sdelay $0x1  }
0x120: {  	s28 =	simm.s32 $0xC400  }
0x121: {  	[tilespmem:s28], [sflag:$0x1] =	stream.indirect_vreg.gather [hbm4b:s4+s3], $0x80, v6, vm0, $0xb8;
	[tilespmem:$0x1A400] =	vst v63  }
0x122: {  	s29 =	simm.s32 $0xCC00  }
0x123: {  	[tilespmem:s29], [sflag:$0x1] =	stream.indirect_vreg.gather [hbm4b:s4+s3], $0x80, v5, vm0, $0xb8;
	[tilespmem:$0x1A400] =	vst v63  }
0x124: {  	v5 =	vld [tilespmem:s1+$0x170];
	_ =	sdelay $0x4  }
0x125: {  	v6 =	vperm.xlane v5, v0;
	_ =	sdelay $0x1  }
0x126: {  	v5 =	vperm.xlane v5, v2;
	v6 =	vadd.s32 v1, v6;
	_ =	sdelay $0x1  }
0x127: {  	v5 =	vadd.s32 v1, v5;
	_ =	sdelay $0x1  }
0x128: {  	s30 =	simm.s32 $0xD400  }
0x129: {  	[tilespmem:s30], [sflag:$0x1] =	stream.indirect_vreg.gather [hbm4b:s4+s3], $0x80, v6, vm0, $0xb8;
	[tilespmem:$0x1A400] =	vst v63  }
0x12a: {  	s31 =	simm.s32 $0xDC00  }
0x12b: {  	[tilespmem:s31], [sflag:$0x1] =	stream.indirect_vreg.gather [hbm4b:s4+s3], $0x80, v5, vm0, $0xb8;
	[tilespmem:$0x1A400] =	vst v63  }
.LBB2_8:
0x12c: {  	_ =	swait.ge [sflag:s19], $0x4000  }
0x12d: {  	[sflag:s19] =	ssyncset.done $0x0  }
0x12e: {  	s1 =	simm.s32 @!p0 $0x4;
	[sflag:s19] =	ssyncadd.s32 $0xFFFFC000  }
0x12f: {  	_ =	swait.ge @!p0 [sflag:s1], $0x2000  }
0x130: {  	s22 =	sor.u32 $0x1, s22;
	s23 =	simm.s32 $0x0;
	[sflag:s1] =	ssyncset.done @!p0 $0x0  }
0x131: {  	s24 =	simm.s32 $0x18B80;
	s26 =	simm.s32 $0x0;
	[sflag:s1] =	ssyncadd.s32 @!p0 $0xFFFFE000  }
.LBB2_9:
0x132: {  	s1 =	sshll.u32 s26, $0x4  }
0x133: {  	v5 =	vmov s1  }
0x134: {  	v5 =	vshll.u32 v5, $0x8  }
0x135: {  	v5 =	vor.u32 v3, v5  }
0x136: {  	v5 =	vand.u32 $0x7800, v5  }
0x137: {  	s1 =	simm.s32 $0xF;
	v5 =	vor.u32 v4, v5  }
0x138: {  	s28 =	simm.s32 $0x1;
	v6 =	vor.u32 s1, v5;
	s1 =	simm.s32 $0x2  }
0x139: {  	v7 =	vor.u32 s28, v5;
	v8 =	vor.u32 s1, v5;
	s1 =	simm.s32 $0x3  }
0x13a: {  	v9 =	vor.u32 s1, v5;
	s1 =	simm.s32 $0x4  }
0x13b: {  	v10 =	vor.u32 s1, v5;
	s1 =	simm.s32 $0x5  }
0x13c: {  	v11 =	vor.u32 s1, v5;
	s1 =	simm.s32 $0x6  }
0x13d: {  	v12 =	vld.idx.msk [tilespmem:v6+s25+$0x0], $0xffff;
	v6 =	vor.u32 s1, v5;
	s1 =	simm.s32 $0x7  }
0x13e: {  	v7 =	vld.idx.msk [tilespmem:v7+s25+$0x0], $0xffff;
	v13 =	vor.u32 s1, v5;
	s1 =	simm.s32 $0x8  }
0x13f: {  	v8 =	vld.idx.msk [tilespmem:v8+s25+$0x0], $0xffff;
	v16 =	vor.u32 s1, v5  }
0x140: {  	v15 =	vld.idx.msk [tilespmem:v9+s25+$0x0], $0xffff;
	s1 =	simm.s32 $0x9  }
0x141: {  	v18 =	vld.idx.msk [tilespmem:v10+s25+$0x0], $0xffff;
	v10 =	vor.u32 s1, v5;
	s1 =	simm.s32 $0xA  }
0x142: {  	v9 =	vld.idx.msk [tilespmem:v11+s25+$0x0], $0xffff;
	v11 =	vor.u32 s1, v5;
	s1 =	simm.s32 $0xB  }
0x143: {  	v6 =	vld.idx.msk [tilespmem:v6+s25+$0x0], $0xffff;
	v12 =	vmul.f32 $8.000000000e+00, v12;
	v14 =	vor.u32 s1, v5;
	s1 =	simm.s32 $0xC  }
0x144: {  	s28 =	simm.s32 $0xD;
	v17 =	vmul.f32 $8.000000000e+00, v7;
	v19 =	vmul.f32 $8.000000000e+00, v8;
	v8 =	vld.idx.msk [tilespmem:v16+s25+$0x0], $0xffff;
	v16 =	vor.u32 s1, v5  }
0x145: {  	v7 =	vld.idx.msk [tilespmem:v13+s25+$0x0], $0xffff;
	v13 =	vor.u32 s28, v5;
	[tilespmem:s24+$0x0] =	vst v12;
	s1 =	simm.s32 $0xE  }
0x146: {  	s31 =	simm.s32 $0x1F;
	[tilespmem:s24+$0xFFFFF900] =	vst v17;
	v17 =	vmul.f32 $8.000000000e+00, v15;
	v10 =	vld.idx.msk [tilespmem:v10+s25+$0x0], $0xffff;
	v15 =	vor.u32 s1, v5  }
0x147: {  	s30 =	simm.s32 $0x20;
	s29 =	smov.u32 s24;
	s28 =	simm.s32 $0x10;
	v12 =	vor.u32 s23, v5;
	[tilespmem:s24+$0xFFFFF980] =	vst v19;
	v18 =	vmul.f32 $8.000000000e+00, v18;
	v11 =	vld.idx.msk [tilespmem:v11+s25+$0x0], $0xffff  }
.LBB2_10:
0x148: {  	p0 =	slt.u32 s30, $0x30;
	s1 =	sadd.s32 $0x1, s28;
	v19 =	vor.u32 s31, v5;
	[tilespmem:s29+$0xFFFFFA00] =	vst v17;
	v9 =	vmul.f32 $8.000000000e+00, v9;
	v14 =	vld.idx.msk [tilespmem:v14+s25+$0x0], $0xffff  }
0x149: {  	v6 =	vmul.f32 $8.000000000e+00, v6;
	v17 =	vor.u32 s1, v5;
	s1 =	sadd.s32 $0x2, s28;
	[tilespmem:s29+$0xFFFFFA80] =	vst v18;
	v16 =	vld.idx.msk [tilespmem:v16+s25+$0x0], $0xffff  }
0x14a: {  	v7 =	vmul.f32 $8.000000000e+00, v7;
	v18 =	vor.u32 s1, v5;
	s1 =	sadd.s32 $0x3, s28;
	[tilespmem:s29+$0xFFFFFB00] =	vst v9;
	v9 =	vld.idx.msk [tilespmem:v13+s25+$0x0], $0xffff  }
0x14b: {  	v13 =	vor.u32 s1, v5;
	s1 =	sadd.s32 $0x4, s28;
	[tilespmem:s29+$0xFFFFFB80] =	vst v6;
	v6 =	vmul.f32 $8.000000000e+00, v8;
	v8 =	vld.idx.msk [tilespmem:v15+s25+$0x0], $0xffff  }
0x14c: {  	v15 =	vor.u32 s1, v5;
	s1 =	sadd.s32 $0x5, s28;
	v12 =	vld.idx.msk [tilespmem:v12+s25+$0x0], $0xffff;
	[tilespmem:s29+$0xFFFFFC00] =	vst v7;
	v7 =	vmul.f32 $8.000000000e+00, v10  }
0x14d: {  	v10 =	vor.u32 s1, v5;
	s1 =	sadd.s32 $0x6, s28;
	v19 =	vld.idx.msk [tilespmem:v19+s25+$0x0], $0xffff;
	[tilespmem:s29+$0xFFFFFC80] =	vst v6;
	v6 =	vmul.f32 $8.000000000e+00, v11  }
0x14e: {  	v11 =	vld.idx.msk [tilespmem:v17+s25+$0x0], $0xffff;
	v17 =	vor.u32 s1, v5;
	s1 =	sadd.s32 $0x7, s28;
	[tilespmem:s29+$0xFFFFFD00] =	vst v7;
	v7 =	vmul.f32 $8.000000000e+00, v14  }
0x14f: {  	v18 =	vld.idx.msk [tilespmem:v18+s25+$0x0], $0xffff;
	v20 =	vor.u32 s1, v5;
	s1 =	sadd.s32 $0x8, s28;
	[tilespmem:s29+$0xFFFFFD80] =	vst v6;
	v6 =	vmul.f32 $8.000000000e+00, v16  }
0x150: {  	v21 =	vld.idx.msk [tilespmem:v13+s25+$0x0], $0xffff;
	v13 =	vor.u32 s1, v5;
	s1 =	sadd.s32 $0x9, s28;
	[tilespmem:s29+$0xFFFFFE00] =	vst v7;
	v7 =	vmul.f32 $8.000000000e+00, v9  }
0x151: {  	v8 =	vmul.f32 $8.000000000e+00, v8;
	v22 =	vld.idx.msk [tilespmem:v15+s25+$0x0], $0xffff;
	v15 =	vor.u32 s1, v5;
	s1 =	sadd.s32 $0xA, s28;
	[tilespmem:s29+$0xFFFFFE80] =	vst v6  }
0x152: {  	v9 =	vld.idx.msk [tilespmem:v10+s25+$0x0], $0xffff;
	v23 =	vor.u32 s1, v5;
	s1 =	sadd.s32 $0xB, s28;
	v10 =	vmul.f32 $8.000000000e+00, v12;
	[tilespmem:s29+$0xFFFFFF00] =	vst v7  }
.Ltmp5:
0x153: {  	v12 =	vmul.f32 $8.000000000e+00, v19;
	v6 =	vld.idx.msk [tilespmem:v17+s25+$0x0], $0xffff;
	v14 =	vor.u32 s1, v5;
	s1 =	sadd.s32 $0xC, s28;
	[tilespmem:s29+$0xFFFFFF80] =	vst v8;
	(pc) =	sbr.rel @p0 .LBB2_10-.Ltmp5, $4  }
0x154: {  	v11 =	vmul.f32 $8.000000000e+00, v11;
	v7 =	vld.idx.msk [tilespmem:v20+s25+$0x0], $0xffff;
	v16 =	vor.u32 s1, v5;
	s1 =	sadd.s32 $0xD, s28;
	[tilespmem:s29+$0xFFFFF880] =	vst v10;
	s29 =	sadd.s32 $0x800, s29  }
0x155: {  	v18 =	vmul.f32 $8.000000000e+00, v18;
	v8 =	vld.idx.msk [tilespmem:v13+s25+$0x0], $0xffff;
	v13 =	vor.u32 s1, v5;
	s1 =	sadd.s32 $0xE, s28;
	[tilespmem:s29+$0x0] =	vst v12  }
0x156: {  	v17 =	vmul.f32 $8.000000000e+00, v21;
	[tilespmem:s29+$0xFFFFF900] =	vst v11;
	v10 =	vld.idx.msk [tilespmem:v15+s25+$0x0], $0xffff;
	v15 =	vor.u32 s1, v5  }
0x157: {  	s31 =	sadd.s32 $0xF, s30;
	v12 =	vor.u32 s28, v5;
	s28 =	smov.u32 s30;
	s30 =	sadd.s32 $0x10, s30;
	[tilespmem:s29+$0xFFFFF980] =	vst v18;
	v18 =	vmul.f32 $8.000000000e+00, v22;
	v11 =	vld.idx.msk [tilespmem:v23+s25+$0x0], $0xffff  }
0x158: {  	_ =	sdelay $0x2  }
0x159: {  	[tilespmem:s29+$0xFFFFFA00] =	vst v17;
	v9 =	vmul.f32 $8.000000000e+00, v9  }
0x15a: {  	s1 =	sadd.s32 $0x1, s28;
	v40 =	vor.u32 s31, v5;
	v14 =	vld.idx.msk [tilespmem:v14+s25+$0x0], $0xffff;
	v6 =	vmul.f32 $8.000000000e+00, v6;
	[tilespmem:s29+$0xFFFFFA80] =	vst v18  }
0x15b: {  	s31 =	sadd.s32 $0x2, s28;
	v12 =	vld.idx.msk [tilespmem:v12+s25+$0x0], $0xffff;
	v41 =	vor.u32 s1, v5;
	v7 =	vmul.f32 $8.000000000e+00, v7;
	[tilespmem:s29+$0xFFFFFB00] =	vst v9  }
0x15c: {  	v16 =	vld.idx.msk [tilespmem:v16+s25+$0x0], $0xffff;
	s30 =	sadd.s32 $0x3, s28;
	v42 =	vor.u32 s31, v5;
	[tilespmem:s29+$0xFFFFFB80] =	vst v6;
	v6 =	vmul.f32 $8.000000000e+00, v8  }
0x15d: {  	v13 =	vld.idx.msk [tilespmem:v13+s25+$0x0], $0xffff;
	v43 =	vor.u32 s30, v5;
	s31 =	sadd.s32 $0x4, s28;
	s30 =	sadd.s32 $0x5, s28;
	[tilespmem:s29+$0xFFFFFC00] =	vst v7;
	v7 =	vmul.f32 $8.000000000e+00, v10  }
0x15e: {  	v15 =	vld.idx.msk [tilespmem:v15+s25+$0x0], $0xffff;
	v44 =	vor.u32 s31, v5;
	v45 =	vor.u32 s30, v5;
	s31 =	sadd.s32 $0x6, s28;
	s30 =	sadd.s32 $0x7, s28;
	[tilespmem:s29+$0xFFFFFC80] =	vst v6;
	v6 =	vmul.f32 $8.000000000e+00, v11  }
0x15f: {  	v47 =	vor.u32 s31, v5;
	v48 =	vor.u32 s30, v5;
	s31 =	sadd.s32 $0x8, s28;
	s30 =	sadd.s32 $0x9, s28;
	v17 =	vld.idx.msk [tilespmem:v40+s25+$0x0], $0xffff;
	[tilespmem:s29+$0xFFFFFD00] =	vst v7;
	v7 =	vmul.f32 $8.000000000e+00, v14  }
0x160: {  	v49 =	vor.u32 s31, v5;
	v50 =	vor.u32 s30, v5;
	s31 =	sadd.s32 $0xA, s28;
	s30 =	sadd.s32 $0xB, s28;
	v12 =	vmul.f32 $8.000000000e+00, v12;
	v46 =	vld.idx.msk [tilespmem:v41+s25+$0x0], $0xffff;
	[tilespmem:s29+$0xFFFFFD80] =	vst v6  }
0x161: {  	v51 =	vor.u32 s31, v5;
	v52 =	vor.u32 s30, v5;
	s31 =	sadd.s32 $0xC, s28;
	s30 =	sadd.s32 $0xD, s28;
	v6 =	vmul.f32 $8.000000000e+00, v16;
	v9 =	vld.idx.msk [tilespmem:v42+s25+$0x0], $0xffff;
	[tilespmem:s29+$0xFFFFFE00] =	vst v7  }
0x162: {  	v8 =	vld.idx.msk [tilespmem:v43+s25+$0x0], $0xffff;
	v54 =	vor.u32 s31, v5;
	v55 =	vor.u32 s30, v5;
	s31 =	sadd.s32 $0xE, s28;
	v7 =	vmul.f32 $8.000000000e+00, v13;
	[tilespmem:s29+$0xFFFFF880] =	vst v12  }
0x163: {  	v10 =	vld.idx.msk [tilespmem:v44+s25+$0x0], $0xffff;
	v57 =	vor.u32 s31, v5;
	v5 =	vor.u32 s28, v5;
	[tilespmem:s29+$0xFFFFFE80] =	vst v6;
	v6 =	vmul.f32 $8.000000000e+00, v15  }
0x164: {  	[tilespmem:s29+$0xFFFFFF00] =	vst v7;
	v7 =	vld.idx.msk [tilespmem:v45+s25+$0x0], $0xffff;
	v17 =	vmul.f32 $8.000000000e+00, v17  }
0x165: {  	[tilespmem:s29+$0xFFFFFF80] =	vst v6;
	v6 =	vld.idx.msk [tilespmem:v47+s25+$0x0], $0xffff;
	s29 =	sadd.s32 $0x800, s29;
	v14 =	vmul.f32 $8.000000000e+00, v46  }
0x166: {  	v53 =	vld.idx.msk [tilespmem:v48+s25+$0x0], $0xffff;
	v9 =	vmul.f32 $8.000000000e+00, v9;
	[tilespmem:s29+$0x0] =	vst v17  }
0x167: {  	v13 =	vld.idx.msk [tilespmem:v49+s25+$0x0], $0xffff;
	v8 =	vmul.f32 $8.000000000e+00, v8;
	[tilespmem:s29+$0xFFFFF900] =	vst v14  }
0x168: {  	v58 =	vmul.f32 $8.000000000e+00, v10;
	v5 =	vld.idx.msk [tilespmem:v5+s25+$0x0], $0xffff;
	[tilespmem:s29+$0xFFFFF980] =	vst v9  }
0x169: {  	v56 =	vld.idx.msk [tilespmem:v50+s25+$0x0], $0xffff;
	[tilespmem:s29+$0xFFFFFA00] =	vst v8;
	v7 =	vmul.f32 $8.000000000e+00, v7  }
0x16a: {  	v59 =	vld.idx.msk [tilespmem:v51+s25+$0x0], $0xffff;
	[tilespmem:s29+$0xFFFFFA80] =	vst v58;
	v6 =	vmul.f32 $8.000000000e+00, v6  }
0x16b: {  	v60 =	vld.idx.msk [tilespmem:v52+s25+$0x0], $0xffff;
	[tilespmem:s29+$0xFFFFFB00] =	vst v7;
	v7 =	vmul.f32 $8.000000000e+00, v53  }
0x16c: {  	v61 =	vld.idx.msk [tilespmem:v54+s25+$0x0], $0xffff;
	[tilespmem:s29+$0xFFFFFB80] =	vst v6;
	v6 =	vmul.f32 $8.000000000e+00, v13  }
0x16d: {  	v62 =	vld.idx.msk [tilespmem:v55+s25+$0x0], $0xffff;
	v5 =	vmul.f32 $8.000000000e+00, v5;
	[tilespmem:s29+$0xFFFFFC00] =	vst v7  }
0x16e: {  	v63 =	vld.idx.msk [tilespmem:v57+s25+$0x0], $0xffff;
	v7 =	vmul.f32 $8.000000000e+00, v56;
	[tilespmem:s29+$0xFFFFFC80] =	vst v6  }
0x16f: {  	s26 =	sadd.s32 $0x1, s26;
	v6 =	vmul.f32 $8.000000000e+00, v59;
	[tilespmem:s29+$0xFFFFF880] =	vst v5  }
0x170: {  	p0 =	sne.s32 s26, $0x8;
	[tilespmem:s29+$0xFFFFFD00] =	vst v7;
	v7 =	vmul.f32 $8.000000000e+00, v60  }
.Ltmp6:
0x171: {  	[tilespmem:s29+$0xFFFFFD80] =	vst v6;
	v6 =	vmul.f32 $8.000000000e+00, v61;
	(pc) =	sbr.rel @p0 .LBB2_9-.Ltmp6, $4  }
0x172: {  	[tilespmem:s29+$0xFFFFFE00] =	vst v7;
	v7 =	vmul.f32 $8.000000000e+00, v62  }
0x173: {  	[tilespmem:s29+$0xFFFFFE80] =	vst v6;
	v6 =	vmul.f32 $8.000000000e+00, v63  }
0x174: {  	[tilespmem:s29+$0xFFFFFF00] =	vst v7  }
0x175: {  	s24 =	sadd.s32 $0x10, s24;
	[tilespmem:s29+$0xFFFFFF80] =	vst v6  }
0x176: {  	s1 =	sadd.s32 s5, s22  }
.Ltmp7:
0x177: {  	s22 =	sshll.u32 s1, $0x7;
	(pc) =	sbr.rel @p1 .LBB2_14-.Ltmp7, $4  }
0x178: {  	s1 =	sshll.u32 s1, $0xA;
	s22 =	sand.u32 $0x3F80, s22  }
0x179: {  	s1 =	sand.u32 $0xFFE0000, s1;
	s22 =	sadd.s32 s2, s22  }
0x17a: {  	s1 =	sadd.s32 s1, s22  }
0x17b: {  	[hbm4b:s1+s16] =	stream.strided.scatter [tilespmem:s20], [sflag:$0x4], $0x2000, s17, s16, $0x38;
	[tilespmem:$0x1A400] =	vst v63  }
0x17c: {  	s1 =	sshll.u32 s21, $0x8  }
0x17d: {  	s1 =	sand.u32 $0x3FFFFF00, s1  }
0x17e: {  	v5 =	vld [tilespmem:s1+$0x180];
	_ =	sdelay $0x4  }
0x17f: {  	v6 =	vperm.xlane v5, v0;
	_ =	sdelay $0x1  }
0x180: {  	v5 =	vperm.xlane v5, v2;
	v6 =	vadd.s32 v1, v6;
	_ =	sdelay $0x1  }
0x181: {  	v5 =	vadd.s32 v1, v5;
	_ =	sdelay $0x2  }
0x182: {  	[tilespmem:s25], [sflag:$0x2] =	stream.indirect_vreg.gather [hbm4b:s4+s3], $0x80, v6, vm0, $0xb8;
	[tilespmem:$0x1A400] =	vst v63  }
0x183: {  	s22 =	simm.s32 $0xEC00  }
0x184: {  	[tilespmem:s22], [sflag:$0x2] =	stream.indirect_vreg.gather [hbm4b:s4+s3], $0x80, v5, vm0, $0xb8;
	[tilespmem:$0x1A400] =	vst v63  }
0x185: {  	v5 =	vld [tilespmem:s1+$0x190];
	_ =	sdelay $0x4  }
0x186: {  	v6 =	vperm.xlane v5, v0;
	_ =	sdelay $0x1  }
0x187: {  	v5 =	vperm.xlane v5, v2;
	v6 =	vadd.s32 v1, v6;
	_ =	sdelay $0x1  }
0x188: {  	v5 =	vadd.s32 v1, v5;
	_ =	sdelay $0x1  }
0x189: {  	s26 =	simm.s32 $0xF400  }
0x18a: {  	[tilespmem:s26], [sflag:$0x2] =	stream.indirect_vreg.gather [hbm4b:s4+s3], $0x80, v6, vm0, $0xb8;
	[tilespmem:$0x1A400] =	vst v63  }
0x18b: {  	s28 =	simm.s32 $0xFC00  }
0x18c: {  	[tilespmem:s28], [sflag:$0x2] =	stream.indirect_vreg.gather [hbm4b:s4+s3], $0x80, v5, vm0, $0xb8;
	[tilespmem:$0x1A400] =	vst v63  }
0x18d: {  	v5 =	vld [tilespmem:s1+$0x1A0];
	_ =	sdelay $0x4  }
0x18e: {  	v6 =	vperm.xlane v5, v0;
	_ =	sdelay $0x1  }
0x18f: {  	v5 =	vperm.xlane v5, v2;
	v6 =	vadd.s32 v1, v6;
	_ =	sdelay $0x1  }
0x190: {  	v5 =	vadd.s32 v1, v5;
	_ =	sdelay $0x1  }
0x191: {  	s29 =	simm.s32 $0x10400  }
0x192: {  	[tilespmem:s29], [sflag:$0x2] =	stream.indirect_vreg.gather [hbm4b:s4+s3], $0x80, v6, vm0, $0xb8;
	[tilespmem:$0x1A400] =	vst v63  }
0x193: {  	s30 =	simm.s32 $0x10C00  }
0x194: {  	[tilespmem:s30], [sflag:$0x2] =	stream.indirect_vreg.gather [hbm4b:s4+s3], $0x80, v5, vm0, $0xb8;
	[tilespmem:$0x1A400] =	vst v63  }
0x195: {  	v5 =	vld [tilespmem:s1+$0x1B0];
	_ =	sdelay $0x4  }
0x196: {  	v6 =	vperm.xlane v5, v0;
	_ =	sdelay $0x1  }
0x197: {  	v5 =	vperm.xlane v5, v2;
	v6 =	vadd.s32 v1, v6;
	_ =	sdelay $0x1  }
0x198: {  	v5 =	vadd.s32 v1, v5;
	_ =	sdelay $0x1  }
0x199: {  	s31 =	simm.s32 $0x11400  }
0x19a: {  	[tilespmem:s31], [sflag:$0x2] =	stream.indirect_vreg.gather [hbm4b:s4+s3], $0x80, v6, vm0, $0xb8;
	[tilespmem:$0x1A400] =	vst v63  }
0x19b: {  	_ = 	snop  }
0x19c: {  	[tilespmem:s0], [sflag:$0x2] =	stream.indirect_vreg.gather [hbm4b:s4+s3], $0x80, v5, vm0, $0xb8;
	[tilespmem:$0x1A400] =	vst v63  }
0x19d: {  	v5 =	vld [tilespmem:s1+$0x1C0];
	_ =	sdelay $0x4  }
0x19e: {  	v6 =	vperm.xlane v5, v0;
	_ =	sdelay $0x1  }
0x19f: {  	v5 =	vperm.xlane v5, v2;
	v6 =	vadd.s32 v1, v6;
	_ =	sdelay $0x1  }
0x1a0: {  	v5 =	vadd.s32 v1, v5;
	_ =	sdelay $0x2  }
0x1a1: {  	[tilespmem:s6], [sflag:$0x2] =	stream.indirect_vreg.gather [hbm4b:s4+s3], $0x80, v6, vm0, $0xb8;
	[tilespmem:$0x1A400] =	vst v63  }
0x1a2: {  	_ = 	snop  }
0x1a3: {  	[tilespmem:s7], [sflag:$0x2] =	stream.indirect_vreg.gather [hbm4b:s4+s3], $0x80, v5, vm0, $0xb8;
	[tilespmem:$0x1A400] =	vst v63  }
0x1a4: {  	v5 =	vld [tilespmem:s1+$0x1D0];
	_ =	sdelay $0x4  }
0x1a5: {  	v6 =	vperm.xlane v5, v0;
	_ =	sdelay $0x1  }
0x1a6: {  	v5 =	vperm.xlane v5, v2;
	v6 =	vadd.s32 v1, v6;
	_ =	sdelay $0x1  }
0x1a7: {  	v5 =	vadd.s32 v1, v5;
	_ =	sdelay $0x2  }
0x1a8: {  	[tilespmem:s8], [sflag:$0x2] =	stream.indirect_vreg.gather [hbm4b:s4+s3], $0x80, v6, vm0, $0xb8;
	[tilespmem:$0x1A400] =	vst v63  }
0x1a9: {  	_ = 	snop  }
0x1aa: {  	[tilespmem:s10], [sflag:$0x2] =	stream.indirect_vreg.gather [hbm4b:s4+s3], $0x80, v5, vm0, $0xb8;
	[tilespmem:$0x1A400] =	vst v63  }
0x1ab: {  	v5 =	vld [tilespmem:s1+$0x1E0];
	_ =	sdelay $0x4  }
0x1ac: {  	v6 =	vperm.xlane v5, v0;
	_ =	sdelay $0x1  }
0x1ad: {  	v5 =	vperm.xlane v5, v2;
	v6 =	vadd.s32 v1, v6;
	_ =	sdelay $0x1  }
0x1ae: {  	v5 =	vadd.s32 v1, v5;
	_ =	sdelay $0x2  }
0x1af: {  	[tilespmem:s11], [sflag:$0x2] =	stream.indirect_vreg.gather [hbm4b:s4+s3], $0x80, v6, vm0, $0xb8;
	[tilespmem:$0x1A400] =	vst v63  }
0x1b0: {  	_ = 	snop  }
0x1b1: {  	[tilespmem:s12], [sflag:$0x2] =	stream.indirect_vreg.gather [hbm4b:s4+s3], $0x80, v5, vm0, $0xb8;
	[tilespmem:$0x1A400] =	vst v63  }
0x1b2: {  	v5 =	vld [tilespmem:s1+$0x1F0];
	_ =	sdelay $0x4  }
0x1b3: {  	v6 =	vperm.xlane v5, v0;
	_ =	sdelay $0x1  }
0x1b4: {  	v5 =	vperm.xlane v5, v2;
	v6 =	vadd.s32 v1, v6;
	_ =	sdelay $0x1  }
0x1b5: {  	v5 =	vadd.s32 v1, v5  }
.Ltmp8:
0x1b6: {  	_ = 	snop;
	(pc) =	sbr.rel .LBB2_2-.Ltmp8, $4  }
0x1b7: {  	_ = 	snop  }
0x1b8: {  	[tilespmem:s13], [sflag:$0x2] =	stream.indirect_vreg.gather [hbm4b:s4+s3], $0x80, v6, vm0, $0xb8;
	[tilespmem:$0x1A400] =	vst v63  }
0x1b9: {  	s21 =	sadd.s32 $0x1, s21  }
0x1ba: {  	[tilespmem:s14], [sflag:$0x2] =	stream.indirect_vreg.gather [hbm4b:s4+s3], $0x80, v5, vm0, $0xb8;
	[tilespmem:$0x1A400] =	vst v63  }
.LBB2_15:
0x1bb: {  	_ =	sfence.sel $0x180000  }
0x1bc: {  	[bflag:$0x0] =	sbarrier.arrive $0xFFFF  }
0x1bd: {  	_ =	strace $0x90000047  }
0x1be: {  	s0 =	stileid.u32;
	[bflag:$0x2] =	sbarrier.arrive $0xFFFF  }
0x1bf: {  	p0 =	sne.s32 s0, $0x0;
	s0 =	rddreg [dreg:$0x2]  }
0x1c0: {  	s0 =	sadd.s32 @!p0 $0x100000, s0  }
0x1c1: {  	[sflag:s0] =	ssyncadd.tile.s32 @!p0 $0x1;
	_ =	shalt  }
.Lfunc_end2:
_tile_overlayer_lowered:
.L_overlay_start_2:
0x1c2: {  	(tag) =	ssettag $0x2  }
0x1c3: {  	s0 =	rddreg [dreg:$0x0];
	s2 =	stileid.u32  }
0x1c4: {  	s1 =	rddreg [dreg:$0x1];
	p0 =	sne.s32 s2, $0x0  }
0x1c5: {  	s3 =	rddreg [dreg:$0x2];
	[bflag:$0x3] =	sbarrier.arrive $0xFFFF;
	s2 =	simm.s32 @!p0 $0x1C05  }
0x1c6: {  	[timem:s3], [sflag:s2] =	dma.local @!p0 [hbm:s0], s1  }
0x1c7: {  	s0 =	simm.s32 @!p0 $0x5  }
0x1c8: {  	_ =	swait.ge @!p0 [sflag:s0], s1  }
0x1c9: {  	s1 =	ssub.s32 @!p0 $0x0, s1;
	[sflag:s0] =	ssyncset.done @!p0 $0x0  }
0x1ca: {  	[sflag:s0] =	ssyncadd.s32 @!p0 s1  }
0x1cb: {  	[bflag:$0x3] =	sbarrier.arrive $0xFFFF  }
0x1cc: {  	_ =	shalt  }

</sc_bundles>
